<compile_context>
chip_gen: v7x
topology: tpu7x:2x2x1
jax: 0.10.2.dev20260603
libtpu: 0.0.44.dev20260713+nightly
codegen_flags: <defaults>
</compile_context>

<pallas_src>
import functools

import jax
import jax.numpy as jnp
from jax import lax
from jax.experimental import pallas as pl
from jax.experimental.pallas import tpu as pltpu
from jax.experimental.pallas import tpu_sc as plsc

NC, NS, L = 2, 16, 16
NW = NC * NS

_ROWS_PER_BLOCK = 800


def _table_body(w_ref, g_ref, b_ref, wa_ref, nb_ref, at_ref, c2_ref):
    e = w_ref[:]
    mu = jnp.mean(e, axis=1, keepdims=True)
    xc = e - mu
    var = jnp.mean(xc * xc, axis=1, keepdims=True)
    y = xc * lax.rsqrt(var + 1e-5) * g_ref[:] + b_ref[:]
    at_ref[:] = lax.dot_general(y, wa_ref[:], (((1,), (1,)), ((), ())),
                                preferred_element_type=jnp.float32)

    @pl.when(pl.program_id(0) == 0)
    def _():
        c2_ref[:] = lax.dot_general(nb_ref[:], wa_ref[:],
                                    (((1,), (1,)), ((), ())),
                                    preferred_element_type=jnp.float32)


def _aligned_table(W_emb, gamma2d, beta2d, W_align, nb2d):
    V, D = W_emb.shape
    nblk = V // _ROWS_PER_BLOCK
    return pl.pallas_call(
        _table_body,
        grid=(nblk,),
        in_specs=[
            pl.BlockSpec((_ROWS_PER_BLOCK, D), lambda i: (i, 0)),
            pl.BlockSpec((1, D), lambda i: (0, 0)),
            pl.BlockSpec((1, D), lambda i: (0, 0)),
            pl.BlockSpec((D, D), lambda i: (0, 0)),
            pl.BlockSpec((1, D), lambda i: (0, 0)),
        ],
        out_specs=[
            pl.BlockSpec((_ROWS_PER_BLOCK, D), lambda i: (i, 0)),
            pl.BlockSpec((1, D), lambda i: (0, 0)),
        ],
        out_shape=[
            jax.ShapeDtypeStruct((V, D), jnp.float32),
            jax.ShapeDtypeStruct((1, D), jnp.float32),
        ],
    )(W_emb, gamma2d, beta2d, W_align, nb2d)


def _lane_bcast(v, lane):
    idx = jnp.full((L,), lane, jnp.int32)
    return v.at[idx].get(mode="promise_in_bounds", unique_indices=False)


def _make_sc_assemble(B, D, n_num, num_tok, n_gath, n_out):
    assert B % NW == 0
    bpw = B // NW
    nc = D // L
    npad = ((n_num + L - 1) // L) * L
    mesh = plsc.VectorSubcoreMesh(core_axis_name="c", subcore_axis_name="s")

    @functools.partial(
        pl.kernel,
        mesh=mesh,
        out_type=jax.ShapeDtypeStruct((B, n_out, D), jnp.float32),
        scratch_types=[
            pltpu.VMEM((bpw, n_gath), jnp.int32),
            pltpu.VMEM((bpw, npad), jnp.float32),
            pltpu.VMEM((n_num * num_tok,), jnp.int32),
            pltpu.VMEM((n_num * num_tok,), jnp.float32),
            pltpu.VMEM((n_num * num_tok, D), jnp.float32),
            pltpu.VMEM((n_num, D), jnp.float32),
            pltpu.VMEM((1, D), jnp.float32),
            pltpu.VMEM((n_out, D), jnp.float32),
            pltpu.SemaphoreType.DMA,
        ],
    )
    def sc_kernel(at_hbm, ids_hbm, xnum_hbm, numidx_hbm, nummask_hbm, c2_hbm,
                  out_hbm, ids_v, xnum_v, numidx_v, nummask_v, numrows_v,
                  a_v, c2_v, buf, gsem):
        wid = lax.axis_index("s") * NC + lax.axis_index("c")
        base = wid * bpw

        pltpu.sync_copy(ids_hbm.at[pl.ds(base, bpw)], ids_v)
        pltpu.sync_copy(xnum_hbm.at[pl.ds(base, bpw)], xnum_v)
        pltpu.sync_copy(numidx_hbm, numidx_v)
        pltpu.sync_copy(nummask_hbm, nummask_v)
        pltpu.sync_copy(c2_hbm, c2_v)

        pltpu.async_copy(at_hbm.at[numidx_v], numrows_v, gsem).wait()

        def a_body(i, _):
            accs = [jnp.zeros((L,), jnp.float32) for _ in range(nc)]
            den = jnp.zeros((L,), jnp.float32)
            for t in range(num_tok):
                flat = i * num_tok + t
                c0 = (flat // L) * L
                mvec = nummask_v[pl.ds(c0, L)]
                m = _lane_bcast(mvec, flat - c0)
                den = den + m
                for c in range(nc):
                    accs[c] = accs[c] + m * numrows_v[flat, pl.ds(c * L, L)]
            for c in range(nc):
                a_v[i, pl.ds(c * L, L)] = accs[c] / den
            return 0

        lax.fori_loop(0, n_num, a_body, 0)

        def b_body(bl, _):
            pltpu.async_copy(at_hbm.at[ids_v.at[bl]],
                             buf.at[pl.ds(n_num, n_gath)], gsem).wait()

            def row_body(i, _):
                c0 = (i // L) * L
                bi = _lane_bcast(xnum_v[bl, pl.ds(c0, L)], i - c0)
                for c in range(nc):
                    buf[i, pl.ds(c * L, L)] = (
                        bi * a_v[i, pl.ds(c * L, L)] + c2_v[0, pl.ds(c * L, L)])
                return 0

            lax.fori_loop(0, n_num, row_body, 0)
            pltpu.sync_copy(buf, out_hbm.at[base + bl])
            return 0

        lax.fori_loop(0, bpw, b_body, 0)

    return sc_kernel


def kernel(x_num, num_col_input_ids, num_att_mask, x_cat_input_ids,
           cat_att_mask, x_bin_input_ids, bin_att_mask, W_emb, ln_gamma,
           ln_beta, num_bias, W_align):
    V, D = W_emb.shape
    B, n_num = x_num.shape
    num_tok = num_col_input_ids.shape[1]
    cat_len = x_cat_input_ids.shape[1]
    bin_len = x_bin_input_ids.shape[1]
    n_gath = cat_len + bin_len
    n_out = n_num + n_gath

    AT, c2 = _aligned_table(
        W_emb, ln_gamma.reshape(1, D), ln_beta.reshape(1, D), W_align,
        num_bias.reshape(1, D))

    ids_all = jnp.concatenate(
        [x_cat_input_ids, x_bin_input_ids], axis=1).astype(jnp.int32)
    numidx = num_col_input_ids.reshape(-1).astype(jnp.int32)
    nummask = num_att_mask.reshape(-1).astype(jnp.float32)

    npad = ((n_num + 15) // 16) * 16
    xnum_p = jnp.pad(x_num, ((0, 0), (0, npad - n_num)))

    sc = _make_sc_assemble(B, D, n_num, num_tok, n_gath, n_out)
    embedding = sc(AT, ids_all, xnum_p, numidx, nummask, c2)

    attention_mask = jnp.concatenate(
        [jnp.ones((B, n_num), jnp.float32), cat_att_mask, bin_att_mask],
        axis=1)
    return embedding, attention_mask

# --- scband reference (transcript-rebuilt; emitter-appended) ---
"""Pipeline reference for scband-trans-tab-feature-processor-764504178741 (READ-ONLY COPY).

The authoritative reference and input builder live on the scoring server;
editing this copy changes nothing except your own understanding.
"""

import jax, jax.numpy as jnp
import numpy as np


def layer_norm(x, gamma, beta, eps=1e-5):
    mu = jnp.mean(x, axis=-1, keepdims=True)
    var = jnp.var(x, axis=-1, keepdims=True)
    return (x - mu) / jnp.sqrt(var + eps) * gamma + beta


def setup_inputs(seed: int = 0) -> dict:
    key = jax.random.key(seed)
    ks = jax.random.split(key, 8)
    B, V, D = 4096, 100000, 128
    n_num, num_tok = 26, 8
    cat_len, bin_len = 100, 20
    inp = {}
    inp['x_num'] = jax.random.normal(ks[0], (B, n_num), jnp.float32)
    inp['num_col_input_ids'] = jax.random.randint(ks[1], (n_num, num_tok), 0, V)
    inp['num_att_mask'] = jnp.ones((n_num, num_tok), jnp.float32)
    inp['x_cat_input_ids'] = jax.random.randint(ks[2], (B, cat_len), 0, V)
    inp['cat_att_mask'] = jnp.ones((B, cat_len), jnp.float32)
    inp['x_bin_input_ids'] = jax.random.randint(ks[3], (B, bin_len), 0, V)
    inp['bin_att_mask'] = jnp.ones((B, bin_len), jnp.float32)
    # learned parameters
    inp['W_emb'] = jax.random.normal(ks[4], (V, D), jnp.float32) * np.sqrt(2.0 / D)  # kaiming normal
    inp['ln_gamma'] = jnp.ones((D,), jnp.float32)
    inp['ln_beta'] = jnp.zeros((D,), jnp.float32)
    inp['num_bias'] = jax.random.uniform(ks[5], (1, 1, D), jnp.float32, -1.0 / np.sqrt(D), 1.0 / np.sqrt(D))
    inp['W_align'] = jax.random.normal(ks[6], (D, D), jnp.float32) * 0.05
    return inp


def reference(x_num, num_col_input_ids, num_att_mask, x_cat_input_ids, cat_att_mask,
              x_bin_input_ids, bin_att_mask, W_emb, ln_gamma, ln_beta, num_bias, W_align):
    def word_emb(ids):
        e = jnp.take(W_emb, ids, axis=0)
        return layer_norm(e, ln_gamma, ln_beta)

    def align(x):
        return x @ W_align.T

    # numerical branch
    num_col_emb = word_emb(num_col_input_ids)                      # [n_num, T, D]
    num_col_emb = jnp.where(num_att_mask[..., None] == 0, 0.0, num_col_emb)
    num_col_emb = num_col_emb.sum(1) / num_att_mask.sum(1, keepdims=True)  # [n_num, D]
    num_feat = num_col_emb[None, :, :] * x_num[:, :, None] + num_bias      # [B, n_num, D]
    num_feat = align(num_feat)

    # categorical branch
    cat_feat = align(word_emb(x_cat_input_ids))                    # [B, cat_len, D]

    # binary branch
    bin_feat = align(word_emb(x_bin_input_ids))                    # [B, bin_len, D]

    embedding = jnp.concatenate([num_feat, cat_feat, bin_feat], axis=1).astype(jnp.float32)
    attention_mask = jnp.concatenate(
        [jnp.ones((num_feat.shape[0], num_feat.shape[1]), jnp.float32), cat_att_mask, bin_att_mask],
        axis=1)
    return embedding, attention_mask

if __name__ == "__main__":
    import jax
    _d = setup_inputs()
    print(jax.jit(kernel)(*tuple(_d.values())))

</pallas_src>

<mosaic_0001>
#map = affine_map<(d0, d1) -> (0, 0)>
#map1 = affine_map<(d0, d1) -> (0)>
#map2 = affine_map<(d0, d1) -> (0, 0, 0)>
module attributes {stable_mosaic.version = 14 : i64} {
  func.func @sc_kernel(%arg0: i32, %arg1: i32, %arg2: memref<100000x128xf32, #tpu.memory_space<hbm>>, %arg3: memref<4096x120xi32, #tpu.memory_space<hbm>>, %arg4: memref<4096x32xf32, #tpu.memory_space<hbm>>, %arg5: memref<208xi32, #tpu.memory_space<hbm>>, %arg6: memref<208xf32, #tpu.memory_space<hbm>>, %arg7: memref<1x128xf32, #tpu.memory_space<hbm>>, %arg8: memref<4096x146x128xf32, #tpu.memory_space<hbm>>, %arg9: memref<128x120xi32, #tpu.memory_space<vmem>>, %arg10: memref<128x32xf32, #tpu.memory_space<vmem>>, %arg11: memref<208xi32, #tpu.memory_space<vmem>>, %arg12: memref<208xf32, #tpu.memory_space<vmem>>, %arg13: memref<208x128xf32, #tpu.memory_space<vmem>>, %arg14: memref<26x128xf32, #tpu.memory_space<vmem>>, %arg15: memref<1x128xf32, #tpu.memory_space<vmem>>, %arg16: memref<146x128xf32, #tpu.memory_space<vmem>>, %arg17: memref<!tpu.dma_semaphore, #tpu.memory_space<semaphore_mem>>) attributes {dimension_semantics = [#tpu.dimension_semantics<core_parallel>, #tpu.dimension_semantics<subcore_parallel>], iteration_bounds = array<i64: 2, 16>, scalar_prefetch = 0 : i64, scratch_operands = 9 : i64, tpu.core_type = #tpu.core_type<sc_vector_subcore>, window_params = [{transform_indices = #map}, {transform_indices = #map}, {transform_indices = #map}, {transform_indices = #map1}, {transform_indices = #map1}, {transform_indices = #map}, {transform_indices = #map2}]} {
    %mul3A = arith.constant 2 : i32
    %mul3A_0 = arith.muli %arg1, %mul3A : i32
    %add3A = arith.addi %mul3A_0, %arg0 : i32
    %mul3A_1 = arith.constant 128 : i32
    %mul3A_2 = arith.muli %add3A, %mul3A_1 : i32
    "tpu.region"() ({
      %run_scoped3A = tpu.sem_alloc : memref<!tpu.dma_semaphore, #tpu.memory_space<semaphore_mem>>
      %dma_start3A_20 = arith.constant 0 : i32
      %dma_start3A_21 = tpu.memref_slice %arg3[%mul3A_2, %dma_start3A_20] : memref<4096x120xi32, #tpu.memory_space<hbm>> -> memref<128x120xi32, #tpu.memory_space<hbm>>
      %dma_start3A_22 = arith.constant 0 : i32
      %dma_start3A_23 = tpu.memref_slice %arg3[%mul3A_2, %dma_start3A_22] : memref<4096x120xi32, #tpu.memory_space<hbm>> -> memref<128x120xi32, #tpu.memory_space<hbm>>
      tpu.enqueue_dma source(%dma_start3A_23 : memref<128x120xi32, #tpu.memory_space<hbm>>) target(%arg9 : memref<128x120xi32, #tpu.memory_space<vmem>>) target_semaphore(%run_scoped3A : memref<!tpu.dma_semaphore, #tpu.memory_space<semaphore_mem>>)
      %dma_wait3A_24 = arith.constant 0 : i32
      %dma_wait3A_25 = tpu.memref_slice %arg3[%mul3A_2, %dma_wait3A_24] : memref<4096x120xi32, #tpu.memory_space<hbm>> -> memref<128x120xi32, #tpu.memory_space<hbm>>
      %dma_wait3A_26 = arith.constant 0 : i32
      %dma_wait3A_27 = tpu.memref_slice %arg3[%mul3A_2, %dma_wait3A_26] : memref<4096x120xi32, #tpu.memory_space<hbm>> -> memref<128x120xi32, #tpu.memory_space<hbm>>
      tpu.wait_dma2 semaphore(%run_scoped3A : memref<!tpu.dma_semaphore, #tpu.memory_space<semaphore_mem>>) src(%dma_wait3A_27 : memref<128x120xi32, #tpu.memory_space<hbm>>) dst(%arg9 : memref<128x120xi32, #tpu.memory_space<vmem>>)
      tpu.yield
    }) : () -> ()
    "tpu.region"() ({
      %run_scoped3A = tpu.sem_alloc : memref<!tpu.dma_semaphore, #tpu.memory_space<semaphore_mem>>
      %dma_start3A_20 = arith.constant 0 : i32
      %dma_start3A_21 = tpu.memref_slice %arg4[%mul3A_2, %dma_start3A_20] : memref<4096x32xf32, #tpu.memory_space<hbm>> -> memref<128x32xf32, #tpu.memory_space<hbm>>
      %dma_start3A_22 = arith.constant 0 : i32
      %dma_start3A_23 = tpu.memref_slice %arg4[%mul3A_2, %dma_start3A_22] : memref<4096x32xf32, #tpu.memory_space<hbm>> -> memref<128x32xf32, #tpu.memory_space<hbm>>
      tpu.enqueue_dma source(%dma_start3A_23 : memref<128x32xf32, #tpu.memory_space<hbm>>) target(%arg10 : memref<128x32xf32, #tpu.memory_space<vmem>>) target_semaphore(%run_scoped3A : memref<!tpu.dma_semaphore, #tpu.memory_space<semaphore_mem>>)
      %dma_wait3A_24 = arith.constant 0 : i32
      %dma_wait3A_25 = tpu.memref_slice %arg4[%mul3A_2, %dma_wait3A_24] : memref<4096x32xf32, #tpu.memory_space<hbm>> -> memref<128x32xf32, #tpu.memory_space<hbm>>
      %dma_wait3A_26 = arith.constant 0 : i32
      %dma_wait3A_27 = tpu.memref_slice %arg4[%mul3A_2, %dma_wait3A_26] : memref<4096x32xf32, #tpu.memory_space<hbm>> -> memref<128x32xf32, #tpu.memory_space<hbm>>
      tpu.wait_dma2 semaphore(%run_scoped3A : memref<!tpu.dma_semaphore, #tpu.memory_space<semaphore_mem>>) src(%dma_wait3A_27 : memref<128x32xf32, #tpu.memory_space<hbm>>) dst(%arg10 : memref<128x32xf32, #tpu.memory_space<vmem>>)
      tpu.yield
    }) : () -> ()
    "tpu.region"() ({
      %run_scoped3A = tpu.sem_alloc : memref<!tpu.dma_semaphore, #tpu.memory_space<semaphore_mem>>
      tpu.enqueue_dma source(%arg5 : memref<208xi32, #tpu.memory_space<hbm>>) target(%arg11 : memref<208xi32, #tpu.memory_space<vmem>>) target_semaphore(%run_scoped3A : memref<!tpu.dma_semaphore, #tpu.memory_space<semaphore_mem>>)
      tpu.wait_dma2 semaphore(%run_scoped3A : memref<!tpu.dma_semaphore, #tpu.memory_space<semaphore_mem>>) src(%arg5 : memref<208xi32, #tpu.memory_space<hbm>>) dst(%arg11 : memref<208xi32, #tpu.memory_space<vmem>>)
      tpu.yield
    }) : () -> ()
    "tpu.region"() ({
      %run_scoped3A = tpu.sem_alloc : memref<!tpu.dma_semaphore, #tpu.memory_space<semaphore_mem>>
      tpu.enqueue_dma source(%arg6 : memref<208xf32, #tpu.memory_space<hbm>>) target(%arg12 : memref<208xf32, #tpu.memory_space<vmem>>) target_semaphore(%run_scoped3A : memref<!tpu.dma_semaphore, #tpu.memory_space<semaphore_mem>>)
      tpu.wait_dma2 semaphore(%run_scoped3A : memref<!tpu.dma_semaphore, #tpu.memory_space<semaphore_mem>>) src(%arg6 : memref<208xf32, #tpu.memory_space<hbm>>) dst(%arg12 : memref<208xf32, #tpu.memory_space<vmem>>)
      tpu.yield
    }) : () -> ()
    "tpu.region"() ({
      %run_scoped3A = tpu.sem_alloc : memref<!tpu.dma_semaphore, #tpu.memory_space<semaphore_mem>>
      tpu.enqueue_dma source(%arg7 : memref<1x128xf32, #tpu.memory_space<hbm>>) target(%arg15 : memref<1x128xf32, #tpu.memory_space<vmem>>) target_semaphore(%run_scoped3A : memref<!tpu.dma_semaphore, #tpu.memory_space<semaphore_mem>>)
      tpu.wait_dma2 semaphore(%run_scoped3A : memref<!tpu.dma_semaphore, #tpu.memory_space<semaphore_mem>>) src(%arg7 : memref<1x128xf32, #tpu.memory_space<hbm>>) dst(%arg15 : memref<1x128xf32, #tpu.memory_space<vmem>>)
      tpu.yield
    }) : () -> ()
    %dma_start3A = arith.constant 0 : i32
    %dma_start3A_3 = arith.constant 0 : i32
    %dma_start3A_4 = tpu.memref_slice %arg2[%dma_start3A, %dma_start3A_3] : memref<100000x128xf32, #tpu.memory_space<hbm>> -> memref<100000x128xf32, #tpu.memory_space<hbm>>
    tpu.enqueue_indirect_dma source(%dma_start3A_4 : memref<100000x128xf32, #tpu.memory_space<hbm>>) target(%arg13 : memref<208x128xf32, #tpu.memory_space<vmem>>) offsets(%arg11 : memref<208xi32, #tpu.memory_space<vmem>>) semaphore(%arg17 : memref<!tpu.dma_semaphore, #tpu.memory_space<semaphore_mem>>)
    %dma_wait3A = arith.constant 0 : i32
    %dma_wait3A_5 = arith.constant 0 : i32
    %dma_wait3A_6 = tpu.memref_slice %arg2[%dma_wait3A, %dma_wait3A_5] : memref<100000x128xf32, #tpu.memory_space<hbm>> -> memref<100000x128xf32, #tpu.memory_space<hbm>>
    tpu.wait_indirect_dma semaphore(%arg17 : memref<!tpu.dma_semaphore, #tpu.memory_space<semaphore_mem>>) src(%dma_wait3A_6 : memref<100000x128xf32, #tpu.memory_space<hbm>>) dst(%arg13 : memref<208x128xf32, #tpu.memory_space<vmem>>)
    %scan3A = arith.constant 0 : i32
    %scan3A_7 = arith.constant 0 : i32
    %scan3A_8 = arith.constant 26 : i32
    %scan3A_9 = arith.addi %scan3A_7, %scan3A_8 : i32
    %scan3A_10 = arith.constant 1 : i32
    %scan3A_11 = scf.for %scan3A_20 = %scan3A_7 to %scan3A_9 step %scan3A_10 iter_args(%scan3A_21 = %scan3A) -> (i32)  : i32 {
      %broadcast_in_dim3A = arith.constant 0.000000e+00 : f32
      %broadcast_in_dim3A_22 = vector.broadcast %broadcast_in_dim3A : f32 to vector<16xf32>
      %broadcast_in_dim3A_23 = arith.constant 0.000000e+00 : f32
      %broadcast_in_dim3A_24 = vector.broadcast %broadcast_in_dim3A_23 : f32 to vector<16xf32>
      %broadcast_in_dim3A_25 = arith.constant 0.000000e+00 : f32
      %broadcast_in_dim3A_26 = vector.broadcast %broadcast_in_dim3A_25 : f32 to vector<16xf32>
      %broadcast_in_dim3A_27 = arith.constant 0.000000e+00 : f32
      %broadcast_in_dim3A_28 = vector.broadcast %broadcast_in_dim3A_27 : f32 to vector<16xf32>
      %broadcast_in_dim3A_29 = arith.constant 0.000000e+00 : f32
      %broadcast_in_dim3A_30 = vector.broadcast %broadcast_in_dim3A_29 : f32 to vector<16xf32>
      %broadcast_in_dim3A_31 = arith.constant 0.000000e+00 : f32
      %broadcast_in_dim3A_32 = vector.broadcast %broadcast_in_dim3A_31 : f32 to vector<16xf32>
      %broadcast_in_dim3A_33 = arith.constant 0.000000e+00 : f32
      %broadcast_in_dim3A_34 = vector.broadcast %broadcast_in_dim3A_33 : f32 to vector<16xf32>
      %broadcast_in_dim3A_35 = arith.constant 0.000000e+00 : f32
      %broadcast_in_dim3A_36 = vector.broadcast %broadcast_in_dim3A_35 : f32 to vector<16xf32>
      %broadcast_in_dim3A_37 = arith.constant 0.000000e+00 : f32
      %broadcast_in_dim3A_38 = vector.broadcast %broadcast_in_dim3A_37 : f32 to vector<16xf32>
      %mul3A_39 = arith.constant 8 : i32
      %mul3A_40 = arith.muli %scan3A_20, %mul3A_39 : i32
      %add3A_41 = arith.constant 0 : i32
      %add3A_42 = arith.addi %mul3A_40, %add3A_41 : i32
      %jit3A = arith.constant 16 : i32
      %div3A = arith.divsi %add3A_42, %jit3A : i32
      %sign3A = arith.constant 0 : i32
      %sign3A_43 = arith.cmpi sgt, %add3A_42, %sign3A : i32
      %sign3A_44 = arith.extui %sign3A_43 : i1 to i32
      %sign3A_45 = arith.constant 0 : i32
      %sign3A_46 = arith.cmpi slt, %add3A_42, %sign3A_45 : i32
      %sign3A_47 = arith.extui %sign3A_46 : i1 to i32
      %sign3A_48 = arith.subi %sign3A_44, %sign3A_47 : i32
      %sign3A_49 = arith.constant 0 : i32
      %sign3A_50 = arith.cmpi sgt, %jit3A, %sign3A_49 : i32
      %sign3A_51 = arith.extui %sign3A_50 : i1 to i32
      %sign3A_52 = arith.constant 0 : i32
      %sign3A_53 = arith.cmpi slt, %jit3A, %sign3A_52 : i32
      %sign3A_54 = arith.extui %sign3A_53 : i1 to i32
      %sign3A_55 = arith.subi %sign3A_51, %sign3A_54 : i32
      %ne3A = arith.cmpi ne, %sign3A_48, %sign3A_55 : i32
      %rem3A = arith.remsi %add3A_42, %jit3A : i32
      %ne3A_56 = arith.constant 0 : i32
      %ne3A_57 = arith.cmpi ne, %rem3A, %ne3A_56 : i32
      %and3A = arith.andi %ne3A, %ne3A_57 : i1
      %sub3A = arith.constant 1 : i32
      %sub3A_58 = arith.subi %div3A, %sub3A : i32
      %select_n3A = arith.select %and3A, %sub3A_58, %div3A : i32
      %mul3A_59 = arith.constant 16 : i32
      %mul3A_60 = arith.muli %select_n3A, %mul3A_59 : i32
      %get3A = arith.index_cast %mul3A_60 : i32 to index
      %get3A_61 = tpu.vector_load %arg12[%get3A] {strides = array<i32>} : memref<208xf32, #tpu.memory_space<vmem>>, vector<16xf32>,
      %get3A_62 = vector.shape_cast %get3A_61 : vector<16xf32> to vector<16xf32>
      %sub3A_63 = arith.subi %add3A_42, %mul3A_60 : i32
      %broadcast_in_dim3A_64 = vector.broadcast %sub3A_63 : i32 to vector<16xi32>
      %lt3A = arith.constant 0 : i32
      %lt3A_65 = vector.broadcast %lt3A : i32 to vector<16xi32>
      %lt3A_66 = arith.cmpi slt, %broadcast_in_dim3A_64, %lt3A_65 : vector<16xi32>
      %add3A_67 = arith.constant 16 : i32
      %add3A_68 = vector.broadcast %add3A_67 : i32 to vector<16xi32>
      %add3A_69 = arith.addi %broadcast_in_dim3A_64, %add3A_68 : vector<16xi32>
      %select_n3A_70 = arith.select %lt3A_66, %add3A_69, %broadcast_in_dim3A_64 : vector<16xi1>, vector<16xi32>
      %broadcast_in_dim3A_71 = vector.shape_cast %select_n3A_70 : vector<16xi32> to vector<16x1xi32>
      %gather3A = vector.shape_cast %broadcast_in_dim3A_71 : vector<16x1xi32> to vector<16xi32>
      %gather3A_72 = tpu.dynamic_gather %get3A_62[%gather3A] in [0] : vector<16xf32>, vector<16xi32> -> vector<16xf32>
      %add3A_73 = arith.addf %broadcast_in_dim3A_38, %gather3A_72 : vector<16xf32>
      %get3A_74 = arith.index_cast %add3A_42 : i32 to index
      %get3A_75 = arith.constant 0 : index
      %get3A_76 = tpu.vector_load %arg13[%get3A_74, %get3A_75] {strides = array<i32>} : memref<208x128xf32, #tpu.memory_space<vmem>>, vector<1x16xf32>,
      %get3A_77 = vector.shape_cast %get3A_76 : vector<1x16xf32> to vector<16xf32>
      %mul3A_78 = arith.mulf %gather3A_72, %get3A_77 : vector<16xf32>
      %add3A_79 = arith.addf %broadcast_in_dim3A_22, %mul3A_78 : vector<16xf32>
      %get3A_80 = arith.index_cast %add3A_42 : i32 to index
      %get3A_81 = arith.constant 16 : index
      %get3A_82 = tpu.vector_load %arg13[%get3A_80, %get3A_81] {strides = array<i32>} : memref<208x128xf32, #tpu.memory_space<vmem>>, vector<1x16xf32>,
      %get3A_83 = vector.shape_cast %get3A_82 : vector<1x16xf32> to vector<16xf32>
      %mul3A_84 = arith.mulf %gather3A_72, %get3A_83 : vector<16xf32>
      %add3A_85 = arith.addf %broadcast_in_dim3A_24, %mul3A_84 : vector<16xf32>
      %get3A_86 = arith.index_cast %add3A_42 : i32 to index
      %get3A_87 = arith.constant 32 : index
      %get3A_88 = tpu.vector_load %arg13[%get3A_86, %get3A_87] {strides = array<i32>} : memref<208x128xf32, #tpu.memory_space<vmem>>, vector<1x16xf32>,
      %get3A_89 = vector.shape_cast %get3A_88 : vector<1x16xf32> to vector<16xf32>
      %mul3A_90 = arith.mulf %gather3A_72, %get3A_89 : vector<16xf32>
      %add3A_91 = arith.addf %broadcast_in_dim3A_26, %mul3A_90 : vector<16xf32>
      %get3A_92 = arith.index_cast %add3A_42 : i32 to index
      %get3A_93 = arith.constant 48 : index
      %get3A_94 = tpu.vector_load %arg13[%get3A_92, %get3A_93] {strides = array<i32>} : memref<208x128xf32, #tpu.memory_space<vmem>>, vector<1x16xf32>,
      %get3A_95 = vector.shape_cast %get3A_94 : vector<1x16xf32> to vector<16xf32>
      %mul3A_96 = arith.mulf %gather3A_72, %get3A_95 : vector<16xf32>
      %add3A_97 = arith.addf %broadcast_in_dim3A_28, %mul3A_96 : vector<16xf32>
      %get3A_98 = arith.index_cast %add3A_42 : i32 to index
      %get3A_99 = arith.constant 64 : index
      %get3A_100 = tpu.vector_load %arg13[%get3A_98, %get3A_99] {strides = array<i32>} : memref<208x128xf32, #tpu.memory_space<vmem>>, vector<1x16xf32>,
      %get3A_101 = vector.shape_cast %get3A_100 : vector<1x16xf32> to vector<16xf32>
      %mul3A_102 = arith.mulf %gather3A_72, %get3A_101 : vector<16xf32>
      %add3A_103 = arith.addf %broadcast_in_dim3A_30, %mul3A_102 : vector<16xf32>
      %get3A_104 = arith.index_cast %add3A_42 : i32 to index
      %get3A_105 = arith.constant 80 : index
      %get3A_106 = tpu.vector_load %arg13[%get3A_104, %get3A_105] {strides = array<i32>} : memref<208x128xf32, #tpu.memory_space<vmem>>, vector<1x16xf32>,
      %get3A_107 = vector.shape_cast %get3A_106 : vector<1x16xf32> to vector<16xf32>
      %mul3A_108 = arith.mulf %gather3A_72, %get3A_107 : vector<16xf32>
      %add3A_109 = arith.addf %broadcast_in_dim3A_32, %mul3A_108 : vector<16xf32>
      %get3A_110 = arith.index_cast %add3A_42 : i32 to index
      %get3A_111 = arith.constant 96 : index
      %get3A_112 = tpu.vector_load %arg13[%get3A_110, %get3A_111] {strides = array<i32>} : memref<208x128xf32, #tpu.memory_space<vmem>>, vector<1x16xf32>,
      %get3A_113 = vector.shape_cast %get3A_112 : vector<1x16xf32> to vector<16xf32>
      %mul3A_114 = arith.mulf %gather3A_72, %get3A_113 : vector<16xf32>
      %add3A_115 = arith.addf %broadcast_in_dim3A_34, %mul3A_114 : vector<16xf32>
      %get3A_116 = arith.index_cast %add3A_42 : i32 to index
      %get3A_117 = arith.constant 112 : index
      %get3A_118 = tpu.vector_load %arg13[%get3A_116, %get3A_117] {strides = array<i32>} : memref<208x128xf32, #tpu.memory_space<vmem>>, vector<1x16xf32>,
      %get3A_119 = vector.shape_cast %get3A_118 : vector<1x16xf32> to vector<16xf32>
      %mul3A_120 = arith.mulf %gather3A_72, %get3A_119 : vector<16xf32>
      %add3A_121 = arith.addf %broadcast_in_dim3A_36, %mul3A_120 : vector<16xf32>
      %mul3A_122 = arith.constant 8 : i32
      %mul3A_123 = arith.muli %scan3A_20, %mul3A_122 : i32
      %add3A_124 = arith.constant 1 : i32
      %add3A_125 = arith.addi %mul3A_123, %add3A_124 : i32
      %jit3A_126 = arith.constant 16 : i32
      %div3A_127 = arith.divsi %add3A_125, %jit3A_126 : i32
      %sign3A_128 = arith.constant 0 : i32
      %sign3A_129 = arith.cmpi sgt, %add3A_125, %sign3A_128 : i32
      %sign3A_130 = arith.extui %sign3A_129 : i1 to i32
      %sign3A_131 = arith.constant 0 : i32
      %sign3A_132 = arith.cmpi slt, %add3A_125, %sign3A_131 : i32
      %sign3A_133 = arith.extui %sign3A_132 : i1 to i32
      %sign3A_134 = arith.subi %sign3A_130, %sign3A_133 : i32
      %sign3A_135 = arith.constant 0 : i32
      %sign3A_136 = arith.cmpi sgt, %jit3A_126, %sign3A_135 : i32
      %sign3A_137 = arith.extui %sign3A_136 : i1 to i32
      %sign3A_138 = arith.constant 0 : i32
      %sign3A_139 = arith.cmpi slt, %jit3A_126, %sign3A_138 : i32
      %sign3A_140 = arith.extui %sign3A_139 : i1 to i32
      %sign3A_141 = arith.subi %sign3A_137, %sign3A_140 : i32
      %ne3A_142 = arith.cmpi ne, %sign3A_134, %sign3A_141 : i32
      %rem3A_143 = arith.remsi %add3A_125, %jit3A_126 : i32
      %ne3A_144 = arith.constant 0 : i32
      %ne3A_145 = arith.cmpi ne, %rem3A_143, %ne3A_144 : i32
      %and3A_146 = arith.andi %ne3A_142, %ne3A_145 : i1
      %sub3A_147 = arith.constant 1 : i32
      %sub3A_148 = arith.subi %div3A_127, %sub3A_147 : i32
      %select_n3A_149 = arith.select %and3A_146, %sub3A_148, %div3A_127 : i32
      %mul3A_150 = arith.constant 16 : i32
      %mul3A_151 = arith.muli %select_n3A_149, %mul3A_150 : i32
      %get3A_152 = arith.index_cast %mul3A_151 : i32 to index
      %get3A_153 = tpu.vector_load %arg12[%get3A_152] {strides = array<i32>} : memref<208xf32, #tpu.memory_space<vmem>>, vector<16xf32>,
      %get3A_154 = vector.shape_cast %get3A_153 : vector<16xf32> to vector<16xf32>
      %sub3A_155 = arith.subi %add3A_125, %mul3A_151 : i32
      %broadcast_in_dim3A_156 = vector.broadcast %sub3A_155 : i32 to vector<16xi32>
      %lt3A_157 = arith.constant 0 : i32
      %lt3A_158 = vector.broadcast %lt3A_157 : i32 to vector<16xi32>
      %lt3A_159 = arith.cmpi slt, %broadcast_in_dim3A_156, %lt3A_158 : vector<16xi32>
      %add3A_160 = arith.constant 16 : i32
      %add3A_161 = vector.broadcast %add3A_160 : i32 to vector<16xi32>
      %add3A_162 = arith.addi %broadcast_in_dim3A_156, %add3A_161 : vector<16xi32>
      %select_n3A_163 = arith.select %lt3A_159, %add3A_162, %broadcast_in_dim3A_156 : vector<16xi1>, vector<16xi32>
      %broadcast_in_dim3A_164 = vector.shape_cast %select_n3A_163 : vector<16xi32> to vector<16x1xi32>
      %gather3A_165 = vector.shape_cast %broadcast_in_dim3A_164 : vector<16x1xi32> to vector<16xi32>
      %gather3A_166 = tpu.dynamic_gather %get3A_154[%gather3A_165] in [0] : vector<16xf32>, vector<16xi32> -> vector<16xf32>
      %add3A_167 = arith.addf %add3A_73, %gather3A_166 : vector<16xf32>
      %get3A_168 = arith.index_cast %add3A_125 : i32 to index
      %get3A_169 = arith.constant 0 : index
      %get3A_170 = tpu.vector_load %arg13[%get3A_168, %get3A_169] {strides = array<i32>} : memref<208x128xf32, #tpu.memory_space<vmem>>, vector<1x16xf32>,
      %get3A_171 = vector.shape_cast %get3A_170 : vector<1x16xf32> to vector<16xf32>
      %mul3A_172 = arith.mulf %gather3A_166, %get3A_171 : vector<16xf32>
      %add3A_173 = arith.addf %add3A_79, %mul3A_172 : vector<16xf32>
      %get3A_174 = arith.index_cast %add3A_125 : i32 to index
      %get3A_175 = arith.constant 16 : index
      %get3A_176 = tpu.vector_load %arg13[%get3A_174, %get3A_175] {strides = array<i32>} : memref<208x128xf32, #tpu.memory_space<vmem>>, vector<1x16xf32>,
      %get3A_177 = vector.shape_cast %get3A_176 : vector<1x16xf32> to vector<16xf32>
      %mul3A_178 = arith.mulf %gather3A_166, %get3A_177 : vector<16xf32>
      %add3A_179 = arith.addf %add3A_85, %mul3A_178 : vector<16xf32>
      %get3A_180 = arith.index_cast %add3A_125 : i32 to index
      %get3A_181 = arith.constant 32 : index
      %get3A_182 = tpu.vector_load %arg13[%get3A_180, %get3A_181] {strides = array<i32>} : memref<208x128xf32, #tpu.memory_space<vmem>>, vector<1x16xf32>,
      %get3A_183 = vector.shape_cast %get3A_182 : vector<1x16xf32> to vector<16xf32>
      %mul3A_184 = arith.mulf %gather3A_166, %get3A_183 : vector<16xf32>
      %add3A_185 = arith.addf %add3A_91, %mul3A_184 : vector<16xf32>
      %get3A_186 = arith.index_cast %add3A_125 : i32 to index
      %get3A_187 = arith.constant 48 : index
      %get3A_188 = tpu.vector_load %arg13[%get3A_186, %get3A_187] {strides = array<i32>} : memref<208x128xf32, #tpu.memory_space<vmem>>, vector<1x16xf32>,
      %get3A_189 = vector.shape_cast %get3A_188 : vector<1x16xf32> to vector<16xf32>
      %mul3A_190 = arith.mulf %gather3A_166, %get3A_189 : vector<16xf32>
      %add3A_191 = arith.addf %add3A_97, %mul3A_190 : vector<16xf32>
      %get3A_192 = arith.index_cast %add3A_125 : i32 to index
      %get3A_193 = arith.constant 64 : index
      %get3A_194 = tpu.vector_load %arg13[%get3A_192, %get3A_193] {strides = array<i32>} : memref<208x128xf32, #tpu.memory_space<vmem>>, vector<1x16xf32>,
      %get3A_195 = vector.shape_cast %get3A_194 : vector<1x16xf32> to vector<16xf32>
      %mul3A_196 = arith.mulf %gather3A_166, %get3A_195 : vector<16xf32>
      %add3A_197 = arith.addf %add3A_103, %mul3A_196 : vector<16xf32>
      %get3A_198 = arith.index_cast %add3A_125 : i32 to index
      %get3A_199 = arith.constant 80 : index
      %get3A_200 = tpu.vector_load %arg13[%get3A_198, %get3A_199] {strides = array<i32>} : memref<208x128xf32, #tpu.memory_space<vmem>>, vector<1x16xf32>,
      %get3A_201 = vector.shape_cast %get3A_200 : vector<1x16xf32> to vector<16xf32>
      %mul3A_202 = arith.mulf %gather3A_166, %get3A_201 : vector<16xf32>
      %add3A_203 = arith.addf %add3A_109, %mul3A_202 : vector<16xf32>
      %get3A_204 = arith.index_cast %add3A_125 : i32 to index
      %get3A_205 = arith.constant 96 : index
      %get3A_206 = tpu.vector_load %arg13[%get3A_204, %get3A_205] {strides = array<i32>} : memref<208x128xf32, #tpu.memory_space<vmem>>, vector<1x16xf32>,
      %get3A_207 = vector.shape_cast %get3A_206 : vector<1x16xf32> to vector<16xf32>
      %mul3A_208 = arith.mulf %gather3A_166, %get3A_207 : vector<16xf32>
      %add3A_209 = arith.addf %add3A_115, %mul3A_208 : vector<16xf32>
      %get3A_210 = arith.index_cast %add3A_125 : i32 to index
      %get3A_211 = arith.constant 112 : index
      %get3A_212 = tpu.vector_load %arg13[%get3A_210, %get3A_211] {strides = array<i32>} : memref<208x128xf32, #tpu.memory_space<vmem>>, vector<1x16xf32>,
      %get3A_213 = vector.shape_cast %get3A_212 : vector<1x16xf32> to vector<16xf32>
      %mul3A_214 = arith.mulf %gather3A_166, %get3A_213 : vector<16xf32>
      %add3A_215 = arith.addf %add3A_121, %mul3A_214 : vector<16xf32>
      %mul3A_216 = arith.constant 8 : i32
      %mul3A_217 = arith.muli %scan3A_20, %mul3A_216 : i32
      %add3A_218 = arith.constant 2 : i32
      %add3A_219 = arith.addi %mul3A_217, %add3A_218 : i32
      %jit3A_220 = arith.constant 16 : i32
      %div3A_221 = arith.divsi %add3A_219, %jit3A_220 : i32
      %sign3A_222 = arith.constant 0 : i32
      %sign3A_223 = arith.cmpi sgt, %add3A_219, %sign3A_222 : i32
      %sign3A_224 = arith.extui %sign3A_223 : i1 to i32
      %sign3A_225 = arith.constant 0 : i32
      %sign3A_226 = arith.cmpi slt, %add3A_219, %sign3A_225 : i32
      %sign3A_227 = arith.extui %sign3A_226 : i1 to i32
      %sign3A_228 = arith.subi %sign3A_224, %sign3A_227 : i32
      %sign3A_229 = arith.constant 0 : i32
      %sign3A_230 = arith.cmpi sgt, %jit3A_220, %sign3A_229 : i32
      %sign3A_231 = arith.extui %sign3A_230 : i1 to i32
      %sign3A_232 = arith.constant 0 : i32
      %sign3A_233 = arith.cmpi slt, %jit3A_220, %sign3A_232 : i32
      %sign3A_234 = arith.extui %sign3A_233 : i1 to i32
      %sign3A_235 = arith.subi %sign3A_231, %sign3A_234 : i32
      %ne3A_236 = arith.cmpi ne, %sign3A_228, %sign3A_235 : i32
      %rem3A_237 = arith.remsi %add3A_219, %jit3A_220 : i32
      %ne3A_238 = arith.constant 0 : i32
      %ne3A_239 = arith.cmpi ne, %rem3A_237, %ne3A_238 : i32
      %and3A_240 = arith.andi %ne3A_236, %ne3A_239 : i1
      %sub3A_241 = arith.constant 1 : i32
      %sub3A_242 = arith.subi %div3A_221, %sub3A_241 : i32
      %select_n3A_243 = arith.select %and3A_240, %sub3A_242, %div3A_221 : i32
      %mul3A_244 = arith.constant 16 : i32
      %mul3A_245 = arith.muli %select_n3A_243, %mul3A_244 : i32
      %get3A_246 = arith.index_cast %mul3A_245 : i32 to index
      %get3A_247 = tpu.vector_load %arg12[%get3A_246] {strides = array<i32>} : memref<208xf32, #tpu.memory_space<vmem>>, vector<16xf32>,
      %get3A_248 = vector.shape_cast %get3A_247 : vector<16xf32> to vector<16xf32>
      %sub3A_249 = arith.subi %add3A_219, %mul3A_245 : i32
      %broadcast_in_dim3A_250 = vector.broadcast %sub3A_249 : i32 to vector<16xi32>
      %lt3A_251 = arith.constant 0 : i32
      %lt3A_252 = vector.broadcast %lt3A_251 : i32 to vector<16xi32>
      %lt3A_253 = arith.cmpi slt, %broadcast_in_dim3A_250, %lt3A_252 : vector<16xi32>
      %add3A_254 = arith.constant 16 : i32
      %add3A_255 = vector.broadcast %add3A_254 : i32 to vector<16xi32>
      %add3A_256 = arith.addi %broadcast_in_dim3A_250, %add3A_255 : vector<16xi32>
      %select_n3A_257 = arith.select %lt3A_253, %add3A_256, %broadcast_in_dim3A_250 : vector<16xi1>, vector<16xi32>
      %broadcast_in_dim3A_258 = vector.shape_cast %select_n3A_257 : vector<16xi32> to vector<16x1xi32>
      %gather3A_259 = vector.shape_cast %broadcast_in_dim3A_258 : vector<16x1xi32> to vector<16xi32>
      %gather3A_260 = tpu.dynamic_gather %get3A_248[%gather3A_259] in [0] : vector<16xf32>, vector<16xi32> -> vector<16xf32>
      %add3A_261 = arith.addf %add3A_167, %gather3A_260 : vector<16xf32>
      %get3A_262 = arith.index_cast %add3A_219 : i32 to index
      %get3A_263 = arith.constant 0 : index
      %get3A_264 = tpu.vector_load %arg13[%get3A_262, %get3A_263] {strides = array<i32>} : memref<208x128xf32, #tpu.memory_space<vmem>>, vector<1x16xf32>,
      %get3A_265 = vector.shape_cast %get3A_264 : vector<1x16xf32> to vector<16xf32>
      %mul3A_266 = arith.mulf %gather3A_260, %get3A_265 : vector<16xf32>
      %add3A_267 = arith.addf %add3A_173, %mul3A_266 : vector<16xf32>
      %get3A_268 = arith.index_cast %add3A_219 : i32 to index
      %get3A_269 = arith.constant 16 : index
      %get3A_270 = tpu.vector_load %arg13[%get3A_268, %get3A_269] {strides = array<i32>} : memref<208x128xf32, #tpu.memory_space<vmem>>, vector<1x16xf32>,
      %get3A_271 = vector.shape_cast %get3A_270 : vector<1x16xf32> to vector<16xf32>
      %mul3A_272 = arith.mulf %gather3A_260, %get3A_271 : vector<16xf32>
      %add3A_273 = arith.addf %add3A_179, %mul3A_272 : vector<16xf32>
      %get3A_274 = arith.index_cast %add3A_219 : i32 to index
      %get3A_275 = arith.constant 32 : index
      %get3A_276 = tpu.vector_load %arg13[%get3A_274, %get3A_275] {strides = array<i32>} : memref<208x128xf32, #tpu.memory_space<vmem>>, vector<1x16xf32>,
      %get3A_277 = vector.shape_cast %get3A_276 : vector<1x16xf32> to vector<16xf32>
      %mul3A_278 = arith.mulf %gather3A_260, %get3A_277 : vector<16xf32>
      %add3A_279 = arith.addf %add3A_185, %mul3A_278 : vector<16xf32>
      %get3A_280 = arith.index_cast %add3A_219 : i32 to index
      %get3A_281 = arith.constant 48 : index
      %get3A_282 = tpu.vector_load %arg13[%get3A_280, %get3A_281] {strides = array<i32>} : memref<208x128xf32, #tpu.memory_space<vmem>>, vector<1x16xf32>,
      %get3A_283 = vector.shape_cast %get3A_282 : vector<1x16xf32> to vector<16xf32>
      %mul3A_284 = arith.mulf %gather3A_260, %get3A_283 : vector<16xf32>
      %add3A_285 = arith.addf %add3A_191, %mul3A_284 : vector<16xf32>
      %get3A_286 = arith.index_cast %add3A_219 : i32 to index
      %get3A_287 = arith.constant 64 : index
      %get3A_288 = tpu.vector_load %arg13[%get3A_286, %get3A_287] {strides = array<i32>} : memref<208x128xf32, #tpu.memory_space<vmem>>, vector<1x16xf32>,
      %get3A_289 = vector.shape_cast %get3A_288 : vector<1x16xf32> to vector<16xf32>
      %mul3A_290 = arith.mulf %gather3A_260, %get3A_289 : vector<16xf32>
      %add3A_291 = arith.addf %add3A_197, %mul3A_290 : vector<16xf32>
      %get3A_292 = arith.index_cast %add3A_219 : i32 to index
      %get3A_293 = arith.constant 80 : index
      %get3A_294 = tpu.vector_load %arg13[%get3A_292, %get3A_293] {strides = array<i32>} : memref<208x128xf32, #tpu.memory_space<vmem>>, vector<1x16xf32>,
      %get3A_295 = vector.shape_cast %get3A_294 : vector<1x16xf32> to vector<16xf32>
      %mul3A_296 = arith.mulf %gather3A_260, %get3A_295 : vector<16xf32>
      %add3A_297 = arith.addf %add3A_203, %mul3A_296 : vector<16xf32>
      %get3A_298 = arith.index_cast %add3A_219 : i32 to index
      %get3A_299 = arith.constant 96 : index
      %get3A_300 = tpu.vector_load %arg13[%get3A_298, %get3A_299] {strides = array<i32>} : memref<208x128xf32, #tpu.memory_space<vmem>>, vector<1x16xf32>,
      %get3A_301 = vector.shape_cast %get3A_300 : vector<1x16xf32> to vector<16xf32>
      %mul3A_302 = arith.mulf %gather3A_260, %get3A_301 : vector<16xf32>
      %add3A_303 = arith.addf %add3A_209, %mul3A_302 : vector<16xf32>
      %get3A_304 = arith.index_cast %add3A_219 : i32 to index
      %get3A_305 = arith.constant 112 : index
      %get3A_306 = tpu.vector_load %arg13[%get3A_304, %get3A_305] {strides = array<i32>} : memref<208x128xf32, #tpu.memory_space<vmem>>, vector<1x16xf32>,
      %get3A_307 = vector.shape_cast %get3A_306 : vector<1x16xf32> to vector<16xf32>
      %mul3A_308 = arith.mulf %gather3A_260, %get3A_307 : vector<16xf32>
      %add3A_309 = arith.addf %add3A_215, %mul3A_308 : vector<16xf32>
      %mul3A_310 = arith.constant 8 : i32
      %mul3A_311 = arith.muli %scan3A_20, %mul3A_310 : i32
      %add3A_312 = arith.constant 3 : i32
      %add3A_313 = arith.addi %mul3A_311, %add3A_312 : i32
      %jit3A_314 = arith.constant 16 : i32
      %div3A_315 = arith.divsi %add3A_313, %jit3A_314 : i32
      %sign3A_316 = arith.constant 0 : i32
      %sign3A_317 = arith.cmpi sgt, %add3A_313, %sign3A_316 : i32
      %sign3A_318 = arith.extui %sign3A_317 : i1 to i32
      %sign3A_319 = arith.constant 0 : i32
      %sign3A_320 = arith.cmpi slt, %add3A_313, %sign3A_319 : i32
      %sign3A_321 = arith.extui %sign3A_320 : i1 to i32
      %sign3A_322 = arith.subi %sign3A_318, %sign3A_321 : i32
      %sign3A_323 = arith.constant 0 : i32
      %sign3A_324 = arith.cmpi sgt, %jit3A_314, %sign3A_323 : i32
      %sign3A_325 = arith.extui %sign3A_324 : i1 to i32
      %sign3A_326 = arith.constant 0 : i32
      %sign3A_327 = arith.cmpi slt, %jit3A_314, %sign3A_326 : i32
      %sign3A_328 = arith.extui %sign3A_327 : i1 to i32
      %sign3A_329 = arith.subi %sign3A_325, %sign3A_328 : i32
      %ne3A_330 = arith.cmpi ne, %sign3A_322, %sign3A_329 : i32
      %rem3A_331 = arith.remsi %add3A_313, %jit3A_314 : i32
      %ne3A_332 = arith.constant 0 : i32
      %ne3A_333 = arith.cmpi ne, %rem3A_331, %ne3A_332 : i32
      %and3A_334 = arith.andi %ne3A_330, %ne3A_333 : i1
      %sub3A_335 = arith.constant 1 : i32
      %sub3A_336 = arith.subi %div3A_315, %sub3A_335 : i32
      %select_n3A_337 = arith.select %and3A_334, %sub3A_336, %div3A_315 : i32
      %mul3A_338 = arith.constant 16 : i32
      %mul3A_339 = arith.muli %select_n3A_337, %mul3A_338 : i32
      %get3A_340 = arith.index_cast %mul3A_339 : i32 to index
      %get3A_341 = tpu.vector_load %arg12[%get3A_340] {strides = array<i32>} : memref<208xf32, #tpu.memory_space<vmem>>, vector<16xf32>,
      %get3A_342 = vector.shape_cast %get3A_341 : vector<16xf32> to vector<16xf32>
      %sub3A_343 = arith.subi %add3A_313, %mul3A_339 : i32
      %broadcast_in_dim3A_344 = vector.broadcast %sub3A_343 : i32 to vector<16xi32>
      %lt3A_345 = arith.constant 0 : i32
      %lt3A_346 = vector.broadcast %lt3A_345 : i32 to vector<16xi32>
      %lt3A_347 = arith.cmpi slt, %broadcast_in_dim3A_344, %lt3A_346 : vector<16xi32>
      %add3A_348 = arith.constant 16 : i32
      %add3A_349 = vector.broadcast %add3A_348 : i32 to vector<16xi32>
      %add3A_350 = arith.addi %broadcast_in_dim3A_344, %add3A_349 : vector<16xi32>
      %select_n3A_351 = arith.select %lt3A_347, %add3A_350, %broadcast_in_dim3A_344 : vector<16xi1>, vector<16xi32>
      %broadcast_in_dim3A_352 = vector.shape_cast %select_n3A_351 : vector<16xi32> to vector<16x1xi32>
      %gather3A_353 = vector.shape_cast %broadcast_in_dim3A_352 : vector<16x1xi32> to vector<16xi32>
      %gather3A_354 = tpu.dynamic_gather %get3A_342[%gather3A_353] in [0] : vector<16xf32>, vector<16xi32> -> vector<16xf32>
      %add3A_355 = arith.addf %add3A_261, %gather3A_354 : vector<16xf32>
      %get3A_356 = arith.index_cast %add3A_313 : i32 to index
      %get3A_357 = arith.constant 0 : index
      %get3A_358 = tpu.vector_load %arg13[%get3A_356, %get3A_357] {strides = array<i32>} : memref<208x128xf32, #tpu.memory_space<vmem>>, vector<1x16xf32>,
      %get3A_359 = vector.shape_cast %get3A_358 : vector<1x16xf32> to vector<16xf32>
      %mul3A_360 = arith.mulf %gather3A_354, %get3A_359 : vector<16xf32>
      %add3A_361 = arith.addf %add3A_267, %mul3A_360 : vector<16xf32>
      %get3A_362 = arith.index_cast %add3A_313 : i32 to index
      %get3A_363 = arith.constant 16 : index
      %get3A_364 = tpu.vector_load %arg13[%get3A_362, %get3A_363] {strides = array<i32>} : memref<208x128xf32, #tpu.memory_space<vmem>>, vector<1x16xf32>,
      %get3A_365 = vector.shape_cast %get3A_364 : vector<1x16xf32> to vector<16xf32>
      %mul3A_366 = arith.mulf %gather3A_354, %get3A_365 : vector<16xf32>
      %add3A_367 = arith.addf %add3A_273, %mul3A_366 : vector<16xf32>
      %get3A_368 = arith.index_cast %add3A_313 : i32 to index
      %get3A_369 = arith.constant 32 : index
      %get3A_370 = tpu.vector_load %arg13[%get3A_368, %get3A_369] {strides = array<i32>} : memref<208x128xf32, #tpu.memory_space<vmem>>, vector<1x16xf32>,
      %get3A_371 = vector.shape_cast %get3A_370 : vector<1x16xf32> to vector<16xf32>
      %mul3A_372 = arith.mulf %gather3A_354, %get3A_371 : vector<16xf32>
      %add3A_373 = arith.addf %add3A_279, %mul3A_372 : vector<16xf32>
      %get3A_374 = arith.index_cast %add3A_313 : i32 to index
      %get3A_375 = arith.constant 48 : index
      %get3A_376 = tpu.vector_load %arg13[%get3A_374, %get3A_375] {strides = array<i32>} : memref<208x128xf32, #tpu.memory_space<vmem>>, vector<1x16xf32>,
      %get3A_377 = vector.shape_cast %get3A_376 : vector<1x16xf32> to vector<16xf32>
      %mul3A_378 = arith.mulf %gather3A_354, %get3A_377 : vector<16xf32>
      %add3A_379 = arith.addf %add3A_285, %mul3A_378 : vector<16xf32>
      %get3A_380 = arith.index_cast %add3A_313 : i32 to index
      %get3A_381 = arith.constant 64 : index
      %get3A_382 = tpu.vector_load %arg13[%get3A_380, %get3A_381] {strides = array<i32>} : memref<208x128xf32, #tpu.memory_space<vmem>>, vector<1x16xf32>,
      %get3A_383 = vector.shape_cast %get3A_382 : vector<1x16xf32> to vector<16xf32>
      %mul3A_384 = arith.mulf %gather3A_354, %get3A_383 : vector<16xf32>
      %add3A_385 = arith.addf %add3A_291, %mul3A_384 : vector<16xf32>
      %get3A_386 = arith.index_cast %add3A_313 : i32 to index
      %get3A_387 = arith.constant 80 : index
      %get3A_388 = tpu.vector_load %arg13[%get3A_386, %get3A_387] {strides = array<i32>} : memref<208x128xf32, #tpu.memory_space<vmem>>, vector<1x16xf32>,
      %get3A_389 = vector.shape_cast %get3A_388 : vector<1x16xf32> to vector<16xf32>
      %mul3A_390 = arith.mulf %gather3A_354, %get3A_389 : vector<16xf32>
      %add3A_391 = arith.addf %add3A_297, %mul3A_390 : vector<16xf32>
      %get3A_392 = arith.index_cast %add3A_313 : i32 to index
      %get3A_393 = arith.constant 96 : index
      %get3A_394 = tpu.vector_load %arg13[%get3A_392, %get3A_393] {strides = array<i32>} : memref<208x128xf32, #tpu.memory_space<vmem>>, vector<1x16xf32>,
      %get3A_395 = vector.shape_cast %get3A_394 : vector<1x16xf32> to vector<16xf32>
      %mul3A_396 = arith.mulf %gather3A_354, %get3A_395 : vector<16xf32>
      %add3A_397 = arith.addf %add3A_303, %mul3A_396 : vector<16xf32>
      %get3A_398 = arith.index_cast %add3A_313 : i32 to index
      %get3A_399 = arith.constant 112 : index
      %get3A_400 = tpu.vector_load %arg13[%get3A_398, %get3A_399] {strides = array<i32>} : memref<208x128xf32, #tpu.memory_space<vmem>>, vector<1x16xf32>,
      %get3A_401 = vector.shape_cast %get3A_400 : vector<1x16xf32> to vector<16xf32>
      %mul3A_402 = arith.mulf %gather3A_354, %get3A_401 : vector<16xf32>
      %add3A_403 = arith.addf %add3A_309, %mul3A_402 : vector<16xf32>
      %mul3A_404 = arith.constant 8 : i32
      %mul3A_405 = arith.muli %scan3A_20, %mul3A_404 : i32
      %add3A_406 = arith.constant 4 : i32
      %add3A_407 = arith.addi %mul3A_405, %add3A_406 : i32
      %jit3A_408 = arith.constant 16 : i32
      %div3A_409 = arith.divsi %add3A_407, %jit3A_408 : i32
      %sign3A_410 = arith.constant 0 : i32
      %sign3A_411 = arith.cmpi sgt, %add3A_407, %sign3A_410 : i32
      %sign3A_412 = arith.extui %sign3A_411 : i1 to i32
      %sign3A_413 = arith.constant 0 : i32
      %sign3A_414 = arith.cmpi slt, %add3A_407, %sign3A_413 : i32
      %sign3A_415 = arith.extui %sign3A_414 : i1 to i32
      %sign3A_416 = arith.subi %sign3A_412, %sign3A_415 : i32
      %sign3A_417 = arith.constant 0 : i32
      %sign3A_418 = arith.cmpi sgt, %jit3A_408, %sign3A_417 : i32
      %sign3A_419 = arith.extui %sign3A_418 : i1 to i32
      %sign3A_420 = arith.constant 0 : i32
      %sign3A_421 = arith.cmpi slt, %jit3A_408, %sign3A_420 : i32
      %sign3A_422 = arith.extui %sign3A_421 : i1 to i32
      %sign3A_423 = arith.subi %sign3A_419, %sign3A_422 : i32
      %ne3A_424 = arith.cmpi ne, %sign3A_416, %sign3A_423 : i32
      %rem3A_425 = arith.remsi %add3A_407, %jit3A_408 : i32
      %ne3A_426 = arith.constant 0 : i32
      %ne3A_427 = arith.cmpi ne, %rem3A_425, %ne3A_426 : i32
      %and3A_428 = arith.andi %ne3A_424, %ne3A_427 : i1
      %sub3A_429 = arith.constant 1 : i32
      %sub3A_430 = arith.subi %div3A_409, %sub3A_429 : i32
      %select_n3A_431 = arith.select %and3A_428, %sub3A_430, %div3A_409 : i32
      %mul3A_432 = arith.constant 16 : i32
      %mul3A_433 = arith.muli %select_n3A_431, %mul3A_432 : i32
      %get3A_434 = arith.index_cast %mul3A_433 : i32 to index
      %get3A_435 = tpu.vector_load %arg12[%get3A_434] {strides = array<i32>} : memref<208xf32, #tpu.memory_space<vmem>>, vector<16xf32>,
      %get3A_436 = vector.shape_cast %get3A_435 : vector<16xf32> to vector<16xf32>
      %sub3A_437 = arith.subi %add3A_407, %mul3A_433 : i32
      %broadcast_in_dim3A_438 = vector.broadcast %sub3A_437 : i32 to vector<16xi32>
      %lt3A_439 = arith.constant 0 : i32
      %lt3A_440 = vector.broadcast %lt3A_439 : i32 to vector<16xi32>
      %lt3A_441 = arith.cmpi slt, %broadcast_in_dim3A_438, %lt3A_440 : vector<16xi32>
      %add3A_442 = arith.constant 16 : i32
      %add3A_443 = vector.broadcast %add3A_442 : i32 to vector<16xi32>
      %add3A_444 = arith.addi %broadcast_in_dim3A_438, %add3A_443 : vector<16xi32>
      %select_n3A_445 = arith.select %lt3A_441, %add3A_444, %broadcast_in_dim3A_438 : vector<16xi1>, vector<16xi32>
      %broadcast_in_dim3A_446 = vector.shape_cast %select_n3A_445 : vector<16xi32> to vector<16x1xi32>
      %gather3A_447 = vector.shape_cast %broadcast_in_dim3A_446 : vector<16x1xi32> to vector<16xi32>
      %gather3A_448 = tpu.dynamic_gather %get3A_436[%gather3A_447] in [0] : vector<16xf32>, vector<16xi32> -> vector<16xf32>
      %add3A_449 = arith.addf %add3A_355, %gather3A_448 : vector<16xf32>
      %get3A_450 = arith.index_cast %add3A_407 : i32 to index
      %get3A_451 = arith.constant 0 : index
      %get3A_452 = tpu.vector_load %arg13[%get3A_450, %get3A_451] {strides = array<i32>} : memref<208x128xf32, #tpu.memory_space<vmem>>, vector<1x16xf32>,
      %get3A_453 = vector.shape_cast %get3A_452 : vector<1x16xf32> to vector<16xf32>
      %mul3A_454 = arith.mulf %gather3A_448, %get3A_453 : vector<16xf32>
      %add3A_455 = arith.addf %add3A_361, %mul3A_454 : vector<16xf32>
      %get3A_456 = arith.index_cast %add3A_407 : i32 to index
      %get3A_457 = arith.constant 16 : index
      %get3A_458 = tpu.vector_load %arg13[%get3A_456, %get3A_457] {strides = array<i32>} : memref<208x128xf32, #tpu.memory_space<vmem>>, vector<1x16xf32>,
      %get3A_459 = vector.shape_cast %get3A_458 : vector<1x16xf32> to vector<16xf32>
      %mul3A_460 = arith.mulf %gather3A_448, %get3A_459 : vector<16xf32>
      %add3A_461 = arith.addf %add3A_367, %mul3A_460 : vector<16xf32>
      %get3A_462 = arith.index_cast %add3A_407 : i32 to index
      %get3A_463 = arith.constant 32 : index
      %get3A_464 = tpu.vector_load %arg13[%get3A_462, %get3A_463] {strides = array<i32>} : memref<208x128xf32, #tpu.memory_space<vmem>>, vector<1x16xf32>,
      %get3A_465 = vector.shape_cast %get3A_464 : vector<1x16xf32> to vector<16xf32>
      %mul3A_466 = arith.mulf %gather3A_448, %get3A_465 : vector<16xf32>
      %add3A_467 = arith.addf %add3A_373, %mul3A_466 : vector<16xf32>
      %get3A_468 = arith.index_cast %add3A_407 : i32 to index
      %get3A_469 = arith.constant 48 : index
      %get3A_470 = tpu.vector_load %arg13[%get3A_468, %get3A_469] {strides = array<i32>} : memref<208x128xf32, #tpu.memory_space<vmem>>, vector<1x16xf32>,
      %get3A_471 = vector.shape_cast %get3A_470 : vector<1x16xf32> to vector<16xf32>
      %mul3A_472 = arith.mulf %gather3A_448, %get3A_471 : vector<16xf32>
      %add3A_473 = arith.addf %add3A_379, %mul3A_472 : vector<16xf32>
      %get3A_474 = arith.index_cast %add3A_407 : i32 to index
      %get3A_475 = arith.constant 64 : index
      %get3A_476 = tpu.vector_load %arg13[%get3A_474, %get3A_475] {strides = array<i32>} : memref<208x128xf32, #tpu.memory_space<vmem>>, vector<1x16xf32>,
      %get3A_477 = vector.shape_cast %get3A_476 : vector<1x16xf32> to vector<16xf32>
      %mul3A_478 = arith.mulf %gather3A_448, %get3A_477 : vector<16xf32>
      %add3A_479 = arith.addf %add3A_385, %mul3A_478 : vector<16xf32>
      %get3A_480 = arith.index_cast %add3A_407 : i32 to index
      %get3A_481 = arith.constant 80 : index
      %get3A_482 = tpu.vector_load %arg13[%get3A_480, %get3A_481] {strides = array<i32>} : memref<208x128xf32, #tpu.memory_space<vmem>>, vector<1x16xf32>,
      %get3A_483 = vector.shape_cast %get3A_482 : vector<1x16xf32> to vector<16xf32>
      %mul3A_484 = arith.mulf %gather3A_448, %get3A_483 : vector<16xf32>
      %add3A_485 = arith.addf %add3A_391, %mul3A_484 : vector<16xf32>
      %get3A_486 = arith.index_cast %add3A_407 : i32 to index
      %get3A_487 = arith.constant 96 : index
      %get3A_488 = tpu.vector_load %arg13[%get3A_486, %get3A_487] {strides = array<i32>} : memref<208x128xf32, #tpu.memory_space<vmem>>, vector<1x16xf32>,
      %get3A_489 = vector.shape_cast %get3A_488 : vector<1x16xf32> to vector<16xf32>
      %mul3A_490 = arith.mulf %gather3A_448, %get3A_489 : vector<16xf32>
      %add3A_491 = arith.addf %add3A_397, %mul3A_490 : vector<16xf32>
      %get3A_492 = arith.index_cast %add3A_407 : i32 to index
      %get3A_493 = arith.constant 112 : index
      %get3A_494 = tpu.vector_load %arg13[%get3A_492, %get3A_493] {strides = array<i32>} : memref<208x128xf32, #tpu.memory_space<vmem>>, vector<1x16xf32>,
      %get3A_495 = vector.shape_cast %get3A_494 : vector<1x16xf32> to vector<16xf32>
      %mul3A_496 = arith.mulf %gather3A_448, %get3A_495 : vector<16xf32>
      %add3A_497 = arith.addf %add3A_403, %mul3A_496 : vector<16xf32>
      %mul3A_498 = arith.constant 8 : i32
      %mul3A_499 = arith.muli %scan3A_20, %mul3A_498 : i32
      %add3A_500 = arith.constant 5 : i32
      %add3A_501 = arith.addi %mul3A_499, %add3A_500 : i32
      %jit3A_502 = arith.constant 16 : i32
      %div3A_503 = arith.divsi %add3A_501, %jit3A_502 : i32
      %sign3A_504 = arith.constant 0 : i32
      %sign3A_505 = arith.cmpi sgt, %add3A_501, %sign3A_504 : i32
      %sign3A_506 = arith.extui %sign3A_505 : i1 to i32
      %sign3A_507 = arith.constant 0 : i32
      %sign3A_508 = arith.cmpi slt, %add3A_501, %sign3A_507 : i32
      %sign3A_509 = arith.extui %sign3A_508 : i1 to i32
      %sign3A_510 = arith.subi %sign3A_506, %sign3A_509 : i32
      %sign3A_511 = arith.constant 0 : i32
      %sign3A_512 = arith.cmpi sgt, %jit3A_502, %sign3A_511 : i32
      %sign3A_513 = arith.extui %sign3A_512 : i1 to i32
      %sign3A_514 = arith.constant 0 : i32
      %sign3A_515 = arith.cmpi slt, %jit3A_502, %sign3A_514 : i32
      %sign3A_516 = arith.extui %sign3A_515 : i1 to i32
      %sign3A_517 = arith.subi %sign3A_513, %sign3A_516 : i32
      %ne3A_518 = arith.cmpi ne, %sign3A_510, %sign3A_517 : i32
      %rem3A_519 = arith.remsi %add3A_501, %jit3A_502 : i32
      %ne3A_520 = arith.constant 0 : i32
      %ne3A_521 = arith.cmpi ne, %rem3A_519, %ne3A_520 : i32
      %and3A_522 = arith.andi %ne3A_518, %ne3A_521 : i1
      %sub3A_523 = arith.constant 1 : i32
      %sub3A_524 = arith.subi %div3A_503, %sub3A_523 : i32
      %select_n3A_525 = arith.select %and3A_522, %sub3A_524, %div3A_503 : i32
      %mul3A_526 = arith.constant 16 : i32
      %mul3A_527 = arith.muli %select_n3A_525, %mul3A_526 : i32
      %get3A_528 = arith.index_cast %mul3A_527 : i32 to index
      %get3A_529 = tpu.vector_load %arg12[%get3A_528] {strides = array<i32>} : memref<208xf32, #tpu.memory_space<vmem>>, vector<16xf32>,
      %get3A_530 = vector.shape_cast %get3A_529 : vector<16xf32> to vector<16xf32>
      %sub3A_531 = arith.subi %add3A_501, %mul3A_527 : i32
      %broadcast_in_dim3A_532 = vector.broadcast %sub3A_531 : i32 to vector<16xi32>
      %lt3A_533 = arith.constant 0 : i32
      %lt3A_534 = vector.broadcast %lt3A_533 : i32 to vector<16xi32>
      %lt3A_535 = arith.cmpi slt, %broadcast_in_dim3A_532, %lt3A_534 : vector<16xi32>
      %add3A_536 = arith.constant 16 : i32
      %add3A_537 = vector.broadcast %add3A_536 : i32 to vector<16xi32>
      %add3A_538 = arith.addi %broadcast_in_dim3A_532, %add3A_537 : vector<16xi32>
      %select_n3A_539 = arith.select %lt3A_535, %add3A_538, %broadcast_in_dim3A_532 : vector<16xi1>, vector<16xi32>
      %broadcast_in_dim3A_540 = vector.shape_cast %select_n3A_539 : vector<16xi32> to vector<16x1xi32>
      %gather3A_541 = vector.shape_cast %broadcast_in_dim3A_540 : vector<16x1xi32> to vector<16xi32>
      %gather3A_542 = tpu.dynamic_gather %get3A_530[%gather3A_541] in [0] : vector<16xf32>, vector<16xi32> -> vector<16xf32>
      %add3A_543 = arith.addf %add3A_449, %gather3A_542 : vector<16xf32>
      %get3A_544 = arith.index_cast %add3A_501 : i32 to index
      %get3A_545 = arith.constant 0 : index
      %get3A_546 = tpu.vector_load %arg13[%get3A_544, %get3A_545] {strides = array<i32>} : memref<208x128xf32, #tpu.memory_space<vmem>>, vector<1x16xf32>,
      %get3A_547 = vector.shape_cast %get3A_546 : vector<1x16xf32> to vector<16xf32>
      %mul3A_548 = arith.mulf %gather3A_542, %get3A_547 : vector<16xf32>
      %add3A_549 = arith.addf %add3A_455, %mul3A_548 : vector<16xf32>
      %get3A_550 = arith.index_cast %add3A_501 : i32 to index
      %get3A_551 = arith.constant 16 : index
      %get3A_552 = tpu.vector_load %arg13[%get3A_550, %get3A_551] {strides = array<i32>} : memref<208x128xf32, #tpu.memory_space<vmem>>, vector<1x16xf32>,
      %get3A_553 = vector.shape_cast %get3A_552 : vector<1x16xf32> to vector<16xf32>
      %mul3A_554 = arith.mulf %gather3A_542, %get3A_553 : vector<16xf32>
      %add3A_555 = arith.addf %add3A_461, %mul3A_554 : vector<16xf32>
      %get3A_556 = arith.index_cast %add3A_501 : i32 to index
      %get3A_557 = arith.constant 32 : index
      %get3A_558 = tpu.vector_load %arg13[%get3A_556, %get3A_557] {strides = array<i32>} : memref<208x128xf32, #tpu.memory_space<vmem>>, vector<1x16xf32>,
      %get3A_559 = vector.shape_cast %get3A_558 : vector<1x16xf32> to vector<16xf32>
      %mul3A_560 = arith.mulf %gather3A_542, %get3A_559 : vector<16xf32>
      %add3A_561 = arith.addf %add3A_467, %mul3A_560 : vector<16xf32>
      %get3A_562 = arith.index_cast %add3A_501 : i32 to index
      %get3A_563 = arith.constant 48 : index
      %get3A_564 = tpu.vector_load %arg13[%get3A_562, %get3A_563] {strides = array<i32>} : memref<208x128xf32, #tpu.memory_space<vmem>>, vector<1x16xf32>,
      %get3A_565 = vector.shape_cast %get3A_564 : vector<1x16xf32> to vector<16xf32>
      %mul3A_566 = arith.mulf %gather3A_542, %get3A_565 : vector<16xf32>
      %add3A_567 = arith.addf %add3A_473, %mul3A_566 : vector<16xf32>
      %get3A_568 = arith.index_cast %add3A_501 : i32 to index
      %get3A_569 = arith.constant 64 : index
      %get3A_570 = tpu.vector_load %arg13[%get3A_568, %get3A_569] {strides = array<i32>} : memref<208x128xf32, #tpu.memory_space<vmem>>, vector<1x16xf32>,
      %get3A_571 = vector.shape_cast %get3A_570 : vector<1x16xf32> to vector<16xf32>
      %mul3A_572 = arith.mulf %gather3A_542, %get3A_571 : vector<16xf32>
      %add3A_573 = arith.addf %add3A_479, %mul3A_572 : vector<16xf32>
      %get3A_574 = arith.index_cast %add3A_501 : i32 to index
      %get3A_575 = arith.constant 80 : index
      %get3A_576 = tpu.vector_load %arg13[%get3A_574, %get3A_575] {strides = array<i32>} : memref<208x128xf32, #tpu.memory_space<vmem>>, vector<1x16xf32>,
      %get3A_577 = vector.shape_cast %get3A_576 : vector<1x16xf32> to vector<16xf32>
      %mul3A_578 = arith.mulf %gather3A_542, %get3A_577 : vector<16xf32>
      %add3A_579 = arith.addf %add3A_485, %mul3A_578 : vector<16xf32>
      %get3A_580 = arith.index_cast %add3A_501 : i32 to index
      %get3A_581 = arith.constant 96 : index
      %get3A_582 = tpu.vector_load %arg13[%get3A_580, %get3A_581] {strides = array<i32>} : memref<208x128xf32, #tpu.memory_space<vmem>>, vector<1x16xf32>,
      %get3A_583 = vector.shape_cast %get3A_582 : vector<1x16xf32> to vector<16xf32>
      %mul3A_584 = arith.mulf %gather3A_542, %get3A_583 : vector<16xf32>
      %add3A_585 = arith.addf %add3A_491, %mul3A_584 : vector<16xf32>
      %get3A_586 = arith.index_cast %add3A_501 : i32 to index
      %get3A_587 = arith.constant 112 : index
      %get3A_588 = tpu.vector_load %arg13[%get3A_586, %get3A_587] {strides = array<i32>} : memref<208x128xf32, #tpu.memory_space<vmem>>, vector<1x16xf32>,
      %get3A_589 = vector.shape_cast %get3A_588 : vector<1x16xf32> to vector<16xf32>
      %mul3A_590 = arith.mulf %gather3A_542, %get3A_589 : vector<16xf32>
      %add3A_591 = arith.addf %add3A_497, %mul3A_590 : vector<16xf32>
      %mul3A_592 = arith.constant 8 : i32
      %mul3A_593 = arith.muli %scan3A_20, %mul3A_592 : i32
      %add3A_594 = arith.constant 6 : i32
      %add3A_595 = arith.addi %mul3A_593, %add3A_594 : i32
      %jit3A_596 = arith.constant 16 : i32
      %div3A_597 = arith.divsi %add3A_595, %jit3A_596 : i32
      %sign3A_598 = arith.constant 0 : i32
      %sign3A_599 = arith.cmpi sgt, %add3A_595, %sign3A_598 : i32
      %sign3A_600 = arith.extui %sign3A_599 : i1 to i32
      %sign3A_601 = arith.constant 0 : i32
      %sign3A_602 = arith.cmpi slt, %add3A_595, %sign3A_601 : i32
      %sign3A_603 = arith.extui %sign3A_602 : i1 to i32
      %sign3A_604 = arith.subi %sign3A_600, %sign3A_603 : i32
      %sign3A_605 = arith.constant 0 : i32
      %sign3A_606 = arith.cmpi sgt, %jit3A_596, %sign3A_605 : i32
      %sign3A_607 = arith.extui %sign3A_606 : i1 to i32
      %sign3A_608 = arith.constant 0 : i32
      %sign3A_609 = arith.cmpi slt, %jit3A_596, %sign3A_608 : i32
      %sign3A_610 = arith.extui %sign3A_609 : i1 to i32
      %sign3A_611 = arith.subi %sign3A_607, %sign3A_610 : i32
      %ne3A_612 = arith.cmpi ne, %sign3A_604, %sign3A_611 : i32
      %rem3A_613 = arith.remsi %add3A_595, %jit3A_596 : i32
      %ne3A_614 = arith.constant 0 : i32
      %ne3A_615 = arith.cmpi ne, %rem3A_613, %ne3A_614 : i32
      %and3A_616 = arith.andi %ne3A_612, %ne3A_615 : i1
      %sub3A_617 = arith.constant 1 : i32
      %sub3A_618 = arith.subi %div3A_597, %sub3A_617 : i32
      %select_n3A_619 = arith.select %and3A_616, %sub3A_618, %div3A_597 : i32
      %mul3A_620 = arith.constant 16 : i32
      %mul3A_621 = arith.muli %select_n3A_619, %mul3A_620 : i32
      %get3A_622 = arith.index_cast %mul3A_621 : i32 to index
      %get3A_623 = tpu.vector_load %arg12[%get3A_622] {strides = array<i32>} : memref<208xf32, #tpu.memory_space<vmem>>, vector<16xf32>,
      %get3A_624 = vector.shape_cast %get3A_623 : vector<16xf32> to vector<16xf32>
      %sub3A_625 = arith.subi %add3A_595, %mul3A_621 : i32
      %broadcast_in_dim3A_626 = vector.broadcast %sub3A_625 : i32 to vector<16xi32>
      %lt3A_627 = arith.constant 0 : i32
      %lt3A_628 = vector.broadcast %lt3A_627 : i32 to vector<16xi32>
      %lt3A_629 = arith.cmpi slt, %broadcast_in_dim3A_626, %lt3A_628 : vector<16xi32>
      %add3A_630 = arith.constant 16 : i32
      %add3A_631 = vector.broadcast %add3A_630 : i32 to vector<16xi32>
      %add3A_632 = arith.addi %broadcast_in_dim3A_626, %add3A_631 : vector<16xi32>
      %select_n3A_633 = arith.select %lt3A_629, %add3A_632, %broadcast_in_dim3A_626 : vector<16xi1>, vector<16xi32>
      %broadcast_in_dim3A_634 = vector.shape_cast %select_n3A_633 : vector<16xi32> to vector<16x1xi32>
      %gather3A_635 = vector.shape_cast %broadcast_in_dim3A_634 : vector<16x1xi32> to vector<16xi32>
      %gather3A_636 = tpu.dynamic_gather %get3A_624[%gather3A_635] in [0] : vector<16xf32>, vector<16xi32> -> vector<16xf32>
      %add3A_637 = arith.addf %add3A_543, %gather3A_636 : vector<16xf32>
      %get3A_638 = arith.index_cast %add3A_595 : i32 to index
      %get3A_639 = arith.constant 0 : index
      %get3A_640 = tpu.vector_load %arg13[%get3A_638, %get3A_639] {strides = array<i32>} : memref<208x128xf32, #tpu.memory_space<vmem>>, vector<1x16xf32>,
      %get3A_641 = vector.shape_cast %get3A_640 : vector<1x16xf32> to vector<16xf32>
      %mul3A_642 = arith.mulf %gather3A_636, %get3A_641 : vector<16xf32>
      %add3A_643 = arith.addf %add3A_549, %mul3A_642 : vector<16xf32>
      %get3A_644 = arith.index_cast %add3A_595 : i32 to index
      %get3A_645 = arith.constant 16 : index
      %get3A_646 = tpu.vector_load %arg13[%get3A_644, %get3A_645] {strides = array<i32>} : memref<208x128xf32, #tpu.memory_space<vmem>>, vector<1x16xf32>,
      %get3A_647 = vector.shape_cast %get3A_646 : vector<1x16xf32> to vector<16xf32>
      %mul3A_648 = arith.mulf %gather3A_636, %get3A_647 : vector<16xf32>
      %add3A_649 = arith.addf %add3A_555, %mul3A_648 : vector<16xf32>
      %get3A_650 = arith.index_cast %add3A_595 : i32 to index
      %get3A_651 = arith.constant 32 : index
      %get3A_652 = tpu.vector_load %arg13[%get3A_650, %get3A_651] {strides = array<i32>} : memref<208x128xf32, #tpu.memory_space<vmem>>, vector<1x16xf32>,
      %get3A_653 = vector.shape_cast %get3A_652 : vector<1x16xf32> to vector<16xf32>
      %mul3A_654 = arith.mulf %gather3A_636, %get3A_653 : vector<16xf32>
      %add3A_655 = arith.addf %add3A_561, %mul3A_654 : vector<16xf32>
      %get3A_656 = arith.index_cast %add3A_595 : i32 to index
      %get3A_657 = arith.constant 48 : index
      %get3A_658 = tpu.vector_load %arg13[%get3A_656, %get3A_657] {strides = array<i32>} : memref<208x128xf32, #tpu.memory_space<vmem>>, vector<1x16xf32>,
      %get3A_659 = vector.shape_cast %get3A_658 : vector<1x16xf32> to vector<16xf32>
      %mul3A_660 = arith.mulf %gather3A_636, %get3A_659 : vector<16xf32>
      %add3A_661 = arith.addf %add3A_567, %mul3A_660 : vector<16xf32>
      %get3A_662 = arith.index_cast %add3A_595 : i32 to index
      %get3A_663 = arith.constant 64 : index
      %get3A_664 = tpu.vector_load %arg13[%get3A_662, %get3A_663] {strides = array<i32>} : memref<208x128xf32, #tpu.memory_space<vmem>>, vector<1x16xf32>,
      %get3A_665 = vector.shape_cast %get3A_664 : vector<1x16xf32> to vector<16xf32>
      %mul3A_666 = arith.mulf %gather3A_636, %get3A_665 : vector<16xf32>
      %add3A_667 = arith.addf %add3A_573, %mul3A_666 : vector<16xf32>
      %get3A_668 = arith.index_cast %add3A_595 : i32 to index
      %get3A_669 = arith.constant 80 : index
      %get3A_670 = tpu.vector_load %arg13[%get3A_668, %get3A_669] {strides = array<i32>} : memref<208x128xf32, #tpu.memory_space<vmem>>, vector<1x16xf32>,
      %get3A_671 = vector.shape_cast %get3A_670 : vector<1x16xf32> to vector<16xf32>
      %mul3A_672 = arith.mulf %gather3A_636, %get3A_671 : vector<16xf32>
      %add3A_673 = arith.addf %add3A_579, %mul3A_672 : vector<16xf32>
      %get3A_674 = arith.index_cast %add3A_595 : i32 to index
      %get3A_675 = arith.constant 96 : index
      %get3A_676 = tpu.vector_load %arg13[%get3A_674, %get3A_675] {strides = array<i32>} : memref<208x128xf32, #tpu.memory_space<vmem>>, vector<1x16xf32>,
      %get3A_677 = vector.shape_cast %get3A_676 : vector<1x16xf32> to vector<16xf32>
      %mul3A_678 = arith.mulf %gather3A_636, %get3A_677 : vector<16xf32>
      %add3A_679 = arith.addf %add3A_585, %mul3A_678 : vector<16xf32>
      %get3A_680 = arith.index_cast %add3A_595 : i32 to index
      %get3A_681 = arith.constant 112 : index
      %get3A_682 = tpu.vector_load %arg13[%get3A_680, %get3A_681] {strides = array<i32>} : memref<208x128xf32, #tpu.memory_space<vmem>>, vector<1x16xf32>,
      %get3A_683 = vector.shape_cast %get3A_682 : vector<1x16xf32> to vector<16xf32>
      %mul3A_684 = arith.mulf %gather3A_636, %get3A_683 : vector<16xf32>
      %add3A_685 = arith.addf %add3A_591, %mul3A_684 : vector<16xf32>
      %mul3A_686 = arith.constant 8 : i32
      %mul3A_687 = arith.muli %scan3A_20, %mul3A_686 : i32
      %add3A_688 = arith.constant 7 : i32
      %add3A_689 = arith.addi %mul3A_687, %add3A_688 : i32
      %jit3A_690 = arith.constant 16 : i32
      %div3A_691 = arith.divsi %add3A_689, %jit3A_690 : i32
      %sign3A_692 = arith.constant 0 : i32
      %sign3A_693 = arith.cmpi sgt, %add3A_689, %sign3A_692 : i32
      %sign3A_694 = arith.extui %sign3A_693 : i1 to i32
      %sign3A_695 = arith.constant 0 : i32
      %sign3A_696 = arith.cmpi slt, %add3A_689, %sign3A_695 : i32
      %sign3A_697 = arith.extui %sign3A_696 : i1 to i32
      %sign3A_698 = arith.subi %sign3A_694, %sign3A_697 : i32
      %sign3A_699 = arith.constant 0 : i32
      %sign3A_700 = arith.cmpi sgt, %jit3A_690, %sign3A_699 : i32
      %sign3A_701 = arith.extui %sign3A_700 : i1 to i32
      %sign3A_702 = arith.constant 0 : i32
      %sign3A_703 = arith.cmpi slt, %jit3A_690, %sign3A_702 : i32
      %sign3A_704 = arith.extui %sign3A_703 : i1 to i32
      %sign3A_705 = arith.subi %sign3A_701, %sign3A_704 : i32
      %ne3A_706 = arith.cmpi ne, %sign3A_698, %sign3A_705 : i32
      %rem3A_707 = arith.remsi %add3A_689, %jit3A_690 : i32
      %ne3A_708 = arith.constant 0 : i32
      %ne3A_709 = arith.cmpi ne, %rem3A_707, %ne3A_708 : i32
      %and3A_710 = arith.andi %ne3A_706, %ne3A_709 : i1
      %sub3A_711 = arith.constant 1 : i32
      %sub3A_712 = arith.subi %div3A_691, %sub3A_711 : i32
      %select_n3A_713 = arith.select %and3A_710, %sub3A_712, %div3A_691 : i32
      %mul3A_714 = arith.constant 16 : i32
      %mul3A_715 = arith.muli %select_n3A_713, %mul3A_714 : i32
      %get3A_716 = arith.index_cast %mul3A_715 : i32 to index
      %get3A_717 = tpu.vector_load %arg12[%get3A_716] {strides = array<i32>} : memref<208xf32, #tpu.memory_space<vmem>>, vector<16xf32>,
      %get3A_718 = vector.shape_cast %get3A_717 : vector<16xf32> to vector<16xf32>
      %sub3A_719 = arith.subi %add3A_689, %mul3A_715 : i32
      %broadcast_in_dim3A_720 = vector.broadcast %sub3A_719 : i32 to vector<16xi32>
      %lt3A_721 = arith.constant 0 : i32
      %lt3A_722 = vector.broadcast %lt3A_721 : i32 to vector<16xi32>
      %lt3A_723 = arith.cmpi slt, %broadcast_in_dim3A_720, %lt3A_722 : vector<16xi32>
      %add3A_724 = arith.constant 16 : i32
      %add3A_725 = vector.broadcast %add3A_724 : i32 to vector<16xi32>
      %add3A_726 = arith.addi %broadcast_in_dim3A_720, %add3A_725 : vector<16xi32>
      %select_n3A_727 = arith.select %lt3A_723, %add3A_726, %broadcast_in_dim3A_720 : vector<16xi1>, vector<16xi32>
      %broadcast_in_dim3A_728 = vector.shape_cast %select_n3A_727 : vector<16xi32> to vector<16x1xi32>
      %gather3A_729 = vector.shape_cast %broadcast_in_dim3A_728 : vector<16x1xi32> to vector<16xi32>
      %gather3A_730 = tpu.dynamic_gather %get3A_718[%gather3A_729] in [0] : vector<16xf32>, vector<16xi32> -> vector<16xf32>
      %add3A_731 = arith.addf %add3A_637, %gather3A_730 : vector<16xf32>
      %get3A_732 = arith.index_cast %add3A_689 : i32 to index
      %get3A_733 = arith.constant 0 : index
      %get3A_734 = tpu.vector_load %arg13[%get3A_732, %get3A_733] {strides = array<i32>} : memref<208x128xf32, #tpu.memory_space<vmem>>, vector<1x16xf32>,
      %get3A_735 = vector.shape_cast %get3A_734 : vector<1x16xf32> to vector<16xf32>
      %mul3A_736 = arith.mulf %gather3A_730, %get3A_735 : vector<16xf32>
      %add3A_737 = arith.addf %add3A_643, %mul3A_736 : vector<16xf32>
      %get3A_738 = arith.index_cast %add3A_689 : i32 to index
      %get3A_739 = arith.constant 16 : index
      %get3A_740 = tpu.vector_load %arg13[%get3A_738, %get3A_739] {strides = array<i32>} : memref<208x128xf32, #tpu.memory_space<vmem>>, vector<1x16xf32>,
      %get3A_741 = vector.shape_cast %get3A_740 : vector<1x16xf32> to vector<16xf32>
      %mul3A_742 = arith.mulf %gather3A_730, %get3A_741 : vector<16xf32>
      %add3A_743 = arith.addf %add3A_649, %mul3A_742 : vector<16xf32>
      %get3A_744 = arith.index_cast %add3A_689 : i32 to index
      %get3A_745 = arith.constant 32 : index
      %get3A_746 = tpu.vector_load %arg13[%get3A_744, %get3A_745] {strides = array<i32>} : memref<208x128xf32, #tpu.memory_space<vmem>>, vector<1x16xf32>,
      %get3A_747 = vector.shape_cast %get3A_746 : vector<1x16xf32> to vector<16xf32>
      %mul3A_748 = arith.mulf %gather3A_730, %get3A_747 : vector<16xf32>
      %add3A_749 = arith.addf %add3A_655, %mul3A_748 : vector<16xf32>
      %get3A_750 = arith.index_cast %add3A_689 : i32 to index
      %get3A_751 = arith.constant 48 : index
      %get3A_752 = tpu.vector_load %arg13[%get3A_750, %get3A_751] {strides = array<i32>} : memref<208x128xf32, #tpu.memory_space<vmem>>, vector<1x16xf32>,
      %get3A_753 = vector.shape_cast %get3A_752 : vector<1x16xf32> to vector<16xf32>
      %mul3A_754 = arith.mulf %gather3A_730, %get3A_753 : vector<16xf32>
      %add3A_755 = arith.addf %add3A_661, %mul3A_754 : vector<16xf32>
      %get3A_756 = arith.index_cast %add3A_689 : i32 to index
      %get3A_757 = arith.constant 64 : index
      %get3A_758 = tpu.vector_load %arg13[%get3A_756, %get3A_757] {strides = array<i32>} : memref<208x128xf32, #tpu.memory_space<vmem>>, vector<1x16xf32>,
      %get3A_759 = vector.shape_cast %get3A_758 : vector<1x16xf32> to vector<16xf32>
      %mul3A_760 = arith.mulf %gather3A_730, %get3A_759 : vector<16xf32>
      %add3A_761 = arith.addf %add3A_667, %mul3A_760 : vector<16xf32>
      %get3A_762 = arith.index_cast %add3A_689 : i32 to index
      %get3A_763 = arith.constant 80 : index
      %get3A_764 = tpu.vector_load %arg13[%get3A_762, %get3A_763] {strides = array<i32>} : memref<208x128xf32, #tpu.memory_space<vmem>>, vector<1x16xf32>,
      %get3A_765 = vector.shape_cast %get3A_764 : vector<1x16xf32> to vector<16xf32>
      %mul3A_766 = arith.mulf %gather3A_730, %get3A_765 : vector<16xf32>
      %add3A_767 = arith.addf %add3A_673, %mul3A_766 : vector<16xf32>
      %get3A_768 = arith.index_cast %add3A_689 : i32 to index
      %get3A_769 = arith.constant 96 : index
      %get3A_770 = tpu.vector_load %arg13[%get3A_768, %get3A_769] {strides = array<i32>} : memref<208x128xf32, #tpu.memory_space<vmem>>, vector<1x16xf32>,
      %get3A_771 = vector.shape_cast %get3A_770 : vector<1x16xf32> to vector<16xf32>
      %mul3A_772 = arith.mulf %gather3A_730, %get3A_771 : vector<16xf32>
      %add3A_773 = arith.addf %add3A_679, %mul3A_772 : vector<16xf32>
      %get3A_774 = arith.index_cast %add3A_689 : i32 to index
      %get3A_775 = arith.constant 112 : index
      %get3A_776 = tpu.vector_load %arg13[%get3A_774, %get3A_775] {strides = array<i32>} : memref<208x128xf32, #tpu.memory_space<vmem>>, vector<1x16xf32>,
      %get3A_777 = vector.shape_cast %get3A_776 : vector<1x16xf32> to vector<16xf32>
      %mul3A_778 = arith.mulf %gather3A_730, %get3A_777 : vector<16xf32>
      %add3A_779 = arith.addf %add3A_685, %mul3A_778 : vector<16xf32>
      %div3A_780 = arith.divf %add3A_737, %add3A_731 : vector<16xf32>
      %swap3A = arith.index_cast %scan3A_20 : i32 to index
      %swap3A_781 = arith.constant 0 : index
      %swap3A_782 = tpu.vector_load %arg14[%swap3A, %swap3A_781] {strides = array<i32>} : memref<26x128xf32, #tpu.memory_space<vmem>>, vector<1x16xf32>,
      %swap3A_783 = vector.shape_cast %swap3A_782 : vector<1x16xf32> to vector<16xf32>
      %swap3A_784 = vector.shape_cast %div3A_780 : vector<16xf32> to vector<1x16xf32>
      tpu.vector_store %arg14[%swap3A, %swap3A_781], %swap3A_784 {strides = array<i32>} : memref<26x128xf32, #tpu.memory_space<vmem>>, vector<1x16xf32>,
      %div3A_785 = arith.divf %add3A_743, %add3A_731 : vector<16xf32>
      %swap3A_786 = arith.index_cast %scan3A_20 : i32 to index
      %swap3A_787 = arith.constant 16 : index
      %swap3A_788 = tpu.vector_load %arg14[%swap3A_786, %swap3A_787] {strides = array<i32>} : memref<26x128xf32, #tpu.memory_space<vmem>>, vector<1x16xf32>,
      %swap3A_789 = vector.shape_cast %swap3A_788 : vector<1x16xf32> to vector<16xf32>
      %swap3A_790 = vector.shape_cast %div3A_785 : vector<16xf32> to vector<1x16xf32>
      tpu.vector_store %arg14[%swap3A_786, %swap3A_787], %swap3A_790 {strides = array<i32>} : memref<26x128xf32, #tpu.memory_space<vmem>>, vector<1x16xf32>,
      %div3A_791 = arith.divf %add3A_749, %add3A_731 : vector<16xf32>
      %swap3A_792 = arith.index_cast %scan3A_20 : i32 to index
      %swap3A_793 = arith.constant 32 : index
      %swap3A_794 = tpu.vector_load %arg14[%swap3A_792, %swap3A_793] {strides = array<i32>} : memref<26x128xf32, #tpu.memory_space<vmem>>, vector<1x16xf32>,
      %swap3A_795 = vector.shape_cast %swap3A_794 : vector<1x16xf32> to vector<16xf32>
      %swap3A_796 = vector.shape_cast %div3A_791 : vector<16xf32> to vector<1x16xf32>
      tpu.vector_store %arg14[%swap3A_792, %swap3A_793], %swap3A_796 {strides = array<i32>} : memref<26x128xf32, #tpu.memory_space<vmem>>, vector<1x16xf32>,
      %div3A_797 = arith.divf %add3A_755, %add3A_731 : vector<16xf32>
      %swap3A_798 = arith.index_cast %scan3A_20 : i32 to index
      %swap3A_799 = arith.constant 48 : index
      %swap3A_800 = tpu.vector_load %arg14[%swap3A_798, %swap3A_799] {strides = array<i32>} : memref<26x128xf32, #tpu.memory_space<vmem>>, vector<1x16xf32>,
      %swap3A_801 = vector.shape_cast %swap3A_800 : vector<1x16xf32> to vector<16xf32>
      %swap3A_802 = vector.shape_cast %div3A_797 : vector<16xf32> to vector<1x16xf32>
      tpu.vector_store %arg14[%swap3A_798, %swap3A_799], %swap3A_802 {strides = array<i32>} : memref<26x128xf32, #tpu.memory_space<vmem>>, vector<1x16xf32>,
      %div3A_803 = arith.divf %add3A_761, %add3A_731 : vector<16xf32>
      %swap3A_804 = arith.index_cast %scan3A_20 : i32 to index
      %swap3A_805 = arith.constant 64 : index
      %swap3A_806 = tpu.vector_load %arg14[%swap3A_804, %swap3A_805] {strides = array<i32>} : memref<26x128xf32, #tpu.memory_space<vmem>>, vector<1x16xf32>,
      %swap3A_807 = vector.shape_cast %swap3A_806 : vector<1x16xf32> to vector<16xf32>
      %swap3A_808 = vector.shape_cast %div3A_803 : vector<16xf32> to vector<1x16xf32>
      tpu.vector_store %arg14[%swap3A_804, %swap3A_805], %swap3A_808 {strides = array<i32>} : memref<26x128xf32, #tpu.memory_space<vmem>>, vector<1x16xf32>,
      %div3A_809 = arith.divf %add3A_767, %add3A_731 : vector<16xf32>
      %swap3A_810 = arith.index_cast %scan3A_20 : i32 to index
      %swap3A_811 = arith.constant 80 : index
      %swap3A_812 = tpu.vector_load %arg14[%swap3A_810, %swap3A_811] {strides = array<i32>} : memref<26x128xf32, #tpu.memory_space<vmem>>, vector<1x16xf32>,
      %swap3A_813 = vector.shape_cast %swap3A_812 : vector<1x16xf32> to vector<16xf32>
      %swap3A_814 = vector.shape_cast %div3A_809 : vector<16xf32> to vector<1x16xf32>
      tpu.vector_store %arg14[%swap3A_810, %swap3A_811], %swap3A_814 {strides = array<i32>} : memref<26x128xf32, #tpu.memory_space<vmem>>, vector<1x16xf32>,
      %div3A_815 = arith.divf %add3A_773, %add3A_731 : vector<16xf32>
      %swap3A_816 = arith.index_cast %scan3A_20 : i32 to index
      %swap3A_817 = arith.constant 96 : index
      %swap3A_818 = tpu.vector_load %arg14[%swap3A_816, %swap3A_817] {strides = array<i32>} : memref<26x128xf32, #tpu.memory_space<vmem>>, vector<1x16xf32>,
      %swap3A_819 = vector.shape_cast %swap3A_818 : vector<1x16xf32> to vector<16xf32>
      %swap3A_820 = vector.shape_cast %div3A_815 : vector<16xf32> to vector<1x16xf32>
      tpu.vector_store %arg14[%swap3A_816, %swap3A_817], %swap3A_820 {strides = array<i32>} : memref<26x128xf32, #tpu.memory_space<vmem>>, vector<1x16xf32>,
      %div3A_821 = arith.divf %add3A_779, %add3A_731 : vector<16xf32>
      %swap3A_822 = arith.index_cast %scan3A_20 : i32 to index
      %swap3A_823 = arith.constant 112 : index
      %swap3A_824 = tpu.vector_load %arg14[%swap3A_822, %swap3A_823] {strides = array<i32>} : memref<26x128xf32, #tpu.memory_space<vmem>>, vector<1x16xf32>,
      %swap3A_825 = vector.shape_cast %swap3A_824 : vector<1x16xf32> to vector<16xf32>
      %swap3A_826 = vector.shape_cast %div3A_821 : vector<16xf32> to vector<1x16xf32>
      tpu.vector_store %arg14[%swap3A_822, %swap3A_823], %swap3A_826 {strides = array<i32>} : memref<26x128xf32, #tpu.memory_space<vmem>>, vector<1x16xf32>,
      %scan3A_827 = arith.constant 0 : i32
      scf.yield %scan3A_827 : i32
    }
    %scan3A_12 = arith.constant 26 : i32
    %scan3A_13 = arith.constant 0 : i32
    %scan3A_14 = arith.constant 0 : i32
    %scan3A_15 = arith.constant 128 : i32
    %scan3A_16 = arith.addi %scan3A_14, %scan3A_15 : i32
    %scan3A_17 = arith.constant 1 : i32
    %scan3A_18 = scf.for %scan3A_20 = %scan3A_14 to %scan3A_16 step %scan3A_17 iter_args(%scan3A_21 = %scan3A_13) -> (i32)  : i32 {
      %dma_start3A_22 = arith.constant 26 : i32
      %dma_start3A_23 = arith.constant 0 : i32
      %dma_start3A_24 = tpu.memref_slice %arg16[%dma_start3A_22, %dma_start3A_23] : memref<146x128xf32, #tpu.memory_space<vmem>> -> memref<120x128xf32, #tpu.memory_space<vmem>>
      %dma_start3A_25 = arith.constant 0 : i32
      %dma_start3A_26 = tpu.memref_slice %arg9[%scan3A_20, %dma_start3A_25] : memref<128x120xi32, #tpu.memory_space<vmem>> -> memref<1x120xi32, #tpu.memory_space<vmem>>
      %dma_start3A_27 = tpu.memref_squeeze %dma_start3A_26 : memref<1x120xi32, #tpu.memory_space<vmem>> -> memref<120xi32, #tpu.memory_space<vmem>>
      %dma_start3A_28 = arith.constant 0 : i32
      %dma_start3A_29 = arith.constant 0 : i32
      %dma_start3A_30 = tpu.memref_slice %arg2[%dma_start3A_28, %dma_start3A_29] : memref<100000x128xf32, #tpu.memory_space<hbm>> -> memref<100000x128xf32, #tpu.memory_space<hbm>>
      tpu.enqueue_indirect_dma source(%dma_start3A_30 : memref<100000x128xf32, #tpu.memory_space<hbm>>) target(%dma_start3A_24 : memref<120x128xf32, #tpu.memory_space<vmem>>) offsets(%dma_start3A_27 : memref<120xi32, #tpu.memory_space<vmem>>) semaphore(%arg17 : memref<!tpu.dma_semaphore, #tpu.memory_space<semaphore_mem>>)
      %dma_wait3A_31 = arith.constant 26 : i32
      %dma_wait3A_32 = arith.constant 0 : i32
      %dma_wait3A_33 = tpu.memref_slice %arg16[%dma_wait3A_31, %dma_wait3A_32] : memref<146x128xf32, #tpu.memory_space<vmem>> -> memref<120x128xf32, #tpu.memory_space<vmem>>
      %dma_wait3A_34 = arith.constant 0 : i32
      %dma_wait3A_35 = tpu.memref_slice %arg9[%scan3A_20, %dma_wait3A_34] : memref<128x120xi32, #tpu.memory_space<vmem>> -> memref<1x120xi32, #tpu.memory_space<vmem>>
      %dma_wait3A_36 = tpu.memref_squeeze %dma_wait3A_35 : memref<1x120xi32, #tpu.memory_space<vmem>> -> memref<120xi32, #tpu.memory_space<vmem>>
      %dma_wait3A_37 = arith.constant 0 : i32
      %dma_wait3A_38 = arith.constant 0 : i32
      %dma_wait3A_39 = tpu.memref_slice %arg2[%dma_wait3A_37, %dma_wait3A_38] : memref<100000x128xf32, #tpu.memory_space<hbm>> -> memref<100000x128xf32, #tpu.memory_space<hbm>>
      tpu.wait_indirect_dma semaphore(%arg17 : memref<!tpu.dma_semaphore, #tpu.memory_space<semaphore_mem>>) src(%dma_wait3A_39 : memref<100000x128xf32, #tpu.memory_space<hbm>>) dst(%dma_wait3A_33 : memref<120x128xf32, #tpu.memory_space<vmem>>)
      %scan3A_40 = arith.constant 0 : i32
      %scan3A_41 = arith.constant 0 : i32
      %scan3A_42 = arith.constant 26 : i32
      %scan3A_43 = arith.addi %scan3A_41, %scan3A_42 : i32
      %scan3A_44 = arith.constant 1 : i32
      %scan3A_45 = scf.for %scan3A_49 = %scan3A_41 to %scan3A_43 step %scan3A_44 iter_args(%scan3A_50 = %scan3A_40) -> (i32)  : i32 {
        %jit3A = arith.constant 16 : i32
        %div3A = arith.divsi %scan3A_49, %jit3A : i32
        %sign3A = arith.constant 0 : i32
        %sign3A_51 = arith.cmpi sgt, %scan3A_49, %sign3A : i32
        %sign3A_52 = arith.extui %sign3A_51 : i1 to i32
        %sign3A_53 = arith.constant 0 : i32
        %sign3A_54 = arith.cmpi slt, %scan3A_49, %sign3A_53 : i32
        %sign3A_55 = arith.extui %sign3A_54 : i1 to i32
        %sign3A_56 = arith.subi %sign3A_52, %sign3A_55 : i32
        %sign3A_57 = arith.constant 0 : i32
        %sign3A_58 = arith.cmpi sgt, %jit3A, %sign3A_57 : i32
        %sign3A_59 = arith.extui %sign3A_58 : i1 to i32
        %sign3A_60 = arith.constant 0 : i32
        %sign3A_61 = arith.cmpi slt, %jit3A, %sign3A_60 : i32
        %sign3A_62 = arith.extui %sign3A_61 : i1 to i32
        %sign3A_63 = arith.subi %sign3A_59, %sign3A_62 : i32
        %ne3A = arith.cmpi ne, %sign3A_56, %sign3A_63 : i32
        %rem3A = arith.remsi %scan3A_49, %jit3A : i32
        %ne3A_64 = arith.constant 0 : i32
        %ne3A_65 = arith.cmpi ne, %rem3A, %ne3A_64 : i32
        %and3A = arith.andi %ne3A, %ne3A_65 : i1
        %sub3A = arith.constant 1 : i32
        %sub3A_66 = arith.subi %div3A, %sub3A : i32
        %select_n3A = arith.select %and3A, %sub3A_66, %div3A : i32
        %mul3A_67 = arith.constant 16 : i32
        %mul3A_68 = arith.muli %select_n3A, %mul3A_67 : i32
        %get3A = arith.index_cast %scan3A_20 : i32 to index
        %get3A_69 = arith.index_cast %mul3A_68 : i32 to index
        %get3A_70 = tpu.vector_load %arg10[%get3A, %get3A_69] {strides = array<i32>} : memref<128x32xf32, #tpu.memory_space<vmem>>, vector<1x16xf32>,
        %get3A_71 = vector.shape_cast %get3A_70 : vector<1x16xf32> to vector<16xf32>
        %sub3A_72 = arith.subi %scan3A_49, %mul3A_68 : i32
        %broadcast_in_dim3A = vector.broadcast %sub3A_72 : i32 to vector<16xi32>
        %lt3A = arith.constant 0 : i32
        %lt3A_73 = vector.broadcast %lt3A : i32 to vector<16xi32>
        %lt3A_74 = arith.cmpi slt, %broadcast_in_dim3A, %lt3A_73 : vector<16xi32>
        %add3A_75 = arith.constant 16 : i32
        %add3A_76 = vector.broadcast %add3A_75 : i32 to vector<16xi32>
        %add3A_77 = arith.addi %broadcast_in_dim3A, %add3A_76 : vector<16xi32>
        %select_n3A_78 = arith.select %lt3A_74, %add3A_77, %broadcast_in_dim3A : vector<16xi1>, vector<16xi32>
        %broadcast_in_dim3A_79 = vector.shape_cast %select_n3A_78 : vector<16xi32> to vector<16x1xi32>
        %gather3A = vector.shape_cast %broadcast_in_dim3A_79 : vector<16x1xi32> to vector<16xi32>
        %gather3A_80 = tpu.dynamic_gather %get3A_71[%gather3A] in [0] : vector<16xf32>, vector<16xi32> -> vector<16xf32>
        %get3A_81 = arith.index_cast %scan3A_49 : i32 to index
        %get3A_82 = arith.constant 0 : index
        %get3A_83 = tpu.vector_load %arg14[%get3A_81, %get3A_82] {strides = array<i32>} : memref<26x128xf32, #tpu.memory_space<vmem>>, vector<1x16xf32>,
        %get3A_84 = vector.shape_cast %get3A_83 : vector<1x16xf32> to vector<16xf32>
        %mul3A_85 = arith.mulf %gather3A_80, %get3A_84 : vector<16xf32>
        %get3A_86 = arith.constant 0 : i32
        %get3A_87 = arith.index_cast %get3A_86 : i32 to index
        %get3A_88 = arith.constant 0 : index
        %get3A_89 = tpu.vector_load %arg15[%get3A_87, %get3A_88] {strides = array<i32>} : memref<1x128xf32, #tpu.memory_space<vmem>>, vector<1x16xf32>,
        %get3A_90 = vector.shape_cast %get3A_89 : vector<1x16xf32> to vector<16xf32>
        %add3A_91 = arith.addf %mul3A_85, %get3A_90 : vector<16xf32>
        %swap3A = arith.index_cast %scan3A_49 : i32 to index
        %swap3A_92 = arith.constant 0 : index
        %swap3A_93 = tpu.vector_load %arg16[%swap3A, %swap3A_92] {strides = array<i32>} : memref<146x128xf32, #tpu.memory_space<vmem>>, vector<1x16xf32>,
        %swap3A_94 = vector.shape_cast %swap3A_93 : vector<1x16xf32> to vector<16xf32>
        %swap3A_95 = vector.shape_cast %add3A_91 : vector<16xf32> to vector<1x16xf32>
        tpu.vector_store %arg16[%swap3A, %swap3A_92], %swap3A_95 {strides = array<i32>} : memref<146x128xf32, #tpu.memory_space<vmem>>, vector<1x16xf32>,
        %get3A_96 = arith.index_cast %scan3A_49 : i32 to index
        %get3A_97 = arith.constant 16 : index
        %get3A_98 = tpu.vector_load %arg14[%get3A_96, %get3A_97] {strides = array<i32>} : memref<26x128xf32, #tpu.memory_space<vmem>>, vector<1x16xf32>,
        %get3A_99 = vector.shape_cast %get3A_98 : vector<1x16xf32> to vector<16xf32>
        %mul3A_100 = arith.mulf %gather3A_80, %get3A_99 : vector<16xf32>
        %get3A_101 = arith.constant 0 : i32
        %get3A_102 = arith.index_cast %get3A_101 : i32 to index
        %get3A_103 = arith.constant 16 : index
        %get3A_104 = tpu.vector_load %arg15[%get3A_102, %get3A_103] {strides = array<i32>} : memref<1x128xf32, #tpu.memory_space<vmem>>, vector<1x16xf32>,
        %get3A_105 = vector.shape_cast %get3A_104 : vector<1x16xf32> to vector<16xf32>
        %add3A_106 = arith.addf %mul3A_100, %get3A_105 : vector<16xf32>
        %swap3A_107 = arith.index_cast %scan3A_49 : i32 to index
        %swap3A_108 = arith.constant 16 : index
        %swap3A_109 = tpu.vector_load %arg16[%swap3A_107, %swap3A_108] {strides = array<i32>} : memref<146x128xf32, #tpu.memory_space<vmem>>, vector<1x16xf32>,
        %swap3A_110 = vector.shape_cast %swap3A_109 : vector<1x16xf32> to vector<16xf32>
        %swap3A_111 = vector.shape_cast %add3A_106 : vector<16xf32> to vector<1x16xf32>
        tpu.vector_store %arg16[%swap3A_107, %swap3A_108], %swap3A_111 {strides = array<i32>} : memref<146x128xf32, #tpu.memory_space<vmem>>, vector<1x16xf32>,
        %get3A_112 = arith.index_cast %scan3A_49 : i32 to index
        %get3A_113 = arith.constant 32 : index
        %get3A_114 = tpu.vector_load %arg14[%get3A_112, %get3A_113] {strides = array<i32>} : memref<26x128xf32, #tpu.memory_space<vmem>>, vector<1x16xf32>,
        %get3A_115 = vector.shape_cast %get3A_114 : vector<1x16xf32> to vector<16xf32>
        %mul3A_116 = arith.mulf %gather3A_80, %get3A_115 : vector<16xf32>
        %get3A_117 = arith.constant 0 : i32
        %get3A_118 = arith.index_cast %get3A_117 : i32 to index
        %get3A_119 = arith.constant 32 : index
        %get3A_120 = tpu.vector_load %arg15[%get3A_118, %get3A_119] {strides = array<i32>} : memref<1x128xf32, #tpu.memory_space<vmem>>, vector<1x16xf32>,
        %get3A_121 = vector.shape_cast %get3A_120 : vector<1x16xf32> to vector<16xf32>
        %add3A_122 = arith.addf %mul3A_116, %get3A_121 : vector<16xf32>
        %swap3A_123 = arith.index_cast %scan3A_49 : i32 to index
        %swap3A_124 = arith.constant 32 : index
        %swap3A_125 = tpu.vector_load %arg16[%swap3A_123, %swap3A_124] {strides = array<i32>} : memref<146x128xf32, #tpu.memory_space<vmem>>, vector<1x16xf32>,
        %swap3A_126 = vector.shape_cast %swap3A_125 : vector<1x16xf32> to vector<16xf32>
        %swap3A_127 = vector.shape_cast %add3A_122 : vector<16xf32> to vector<1x16xf32>
        tpu.vector_store %arg16[%swap3A_123, %swap3A_124], %swap3A_127 {strides = array<i32>} : memref<146x128xf32, #tpu.memory_space<vmem>>, vector<1x16xf32>,
        %get3A_128 = arith.index_cast %scan3A_49 : i32 to index
        %get3A_129 = arith.constant 48 : index
        %get3A_130 = tpu.vector_load %arg14[%get3A_128, %get3A_129] {strides = array<i32>} : memref<26x128xf32, #tpu.memory_space<vmem>>, vector<1x16xf32>,
        %get3A_131 = vector.shape_cast %get3A_130 : vector<1x16xf32> to vector<16xf32>
        %mul3A_132 = arith.mulf %gather3A_80, %get3A_131 : vector<16xf32>
        %get3A_133 = arith.constant 0 : i32
        %get3A_134 = arith.index_cast %get3A_133 : i32 to index
        %get3A_135 = arith.constant 48 : index
        %get3A_136 = tpu.vector_load %arg15[%get3A_134, %get3A_135] {strides = array<i32>} : memref<1x128xf32, #tpu.memory_space<vmem>>, vector<1x16xf32>,
        %get3A_137 = vector.shape_cast %get3A_136 : vector<1x16xf32> to vector<16xf32>
        %add3A_138 = arith.addf %mul3A_132, %get3A_137 : vector<16xf32>
        %swap3A_139 = arith.index_cast %scan3A_49 : i32 to index
        %swap3A_140 = arith.constant 48 : index
        %swap3A_141 = tpu.vector_load %arg16[%swap3A_139, %swap3A_140] {strides = array<i32>} : memref<146x128xf32, #tpu.memory_space<vmem>>, vector<1x16xf32>,
        %swap3A_142 = vector.shape_cast %swap3A_141 : vector<1x16xf32> to vector<16xf32>
        %swap3A_143 = vector.shape_cast %add3A_138 : vector<16xf32> to vector<1x16xf32>
        tpu.vector_store %arg16[%swap3A_139, %swap3A_140], %swap3A_143 {strides = array<i32>} : memref<146x128xf32, #tpu.memory_space<vmem>>, vector<1x16xf32>,
        %get3A_144 = arith.index_cast %scan3A_49 : i32 to index
        %get3A_145 = arith.constant 64 : index
        %get3A_146 = tpu.vector_load %arg14[%get3A_144, %get3A_145] {strides = array<i32>} : memref<26x128xf32, #tpu.memory_space<vmem>>, vector<1x16xf32>,
        %get3A_147 = vector.shape_cast %get3A_146 : vector<1x16xf32> to vector<16xf32>
        %mul3A_148 = arith.mulf %gather3A_80, %get3A_147 : vector<16xf32>
        %get3A_149 = arith.constant 0 : i32
        %get3A_150 = arith.index_cast %get3A_149 : i32 to index
        %get3A_151 = arith.constant 64 : index
        %get3A_152 = tpu.vector_load %arg15[%get3A_150, %get3A_151] {strides = array<i32>} : memref<1x128xf32, #tpu.memory_space<vmem>>, vector<1x16xf32>,
        %get3A_153 = vector.shape_cast %get3A_152 : vector<1x16xf32> to vector<16xf32>
        %add3A_154 = arith.addf %mul3A_148, %get3A_153 : vector<16xf32>
        %swap3A_155 = arith.index_cast %scan3A_49 : i32 to index
        %swap3A_156 = arith.constant 64 : index
        %swap3A_157 = tpu.vector_load %arg16[%swap3A_155, %swap3A_156] {strides = array<i32>} : memref<146x128xf32, #tpu.memory_space<vmem>>, vector<1x16xf32>,
        %swap3A_158 = vector.shape_cast %swap3A_157 : vector<1x16xf32> to vector<16xf32>
        %swap3A_159 = vector.shape_cast %add3A_154 : vector<16xf32> to vector<1x16xf32>
        tpu.vector_store %arg16[%swap3A_155, %swap3A_156], %swap3A_159 {strides = array<i32>} : memref<146x128xf32, #tpu.memory_space<vmem>>, vector<1x16xf32>,
        %get3A_160 = arith.index_cast %scan3A_49 : i32 to index
        %get3A_161 = arith.constant 80 : index
        %get3A_162 = tpu.vector_load %arg14[%get3A_160, %get3A_161] {strides = array<i32>} : memref<26x128xf32, #tpu.memory_space<vmem>>, vector<1x16xf32>,
        %get3A_163 = vector.shape_cast %get3A_162 : vector<1x16xf32> to vector<16xf32>
        %mul3A_164 = arith.mulf %gather3A_80, %get3A_163 : vector<16xf32>
        %get3A_165 = arith.constant 0 : i32
        %get3A_166 = arith.index_cast %get3A_165 : i32 to index
        %get3A_167 = arith.constant 80 : index
        %get3A_168 = tpu.vector_load %arg15[%get3A_166, %get3A_167] {strides = array<i32>} : memref<1x128xf32, #tpu.memory_space<vmem>>, vector<1x16xf32>,
        %get3A_169 = vector.shape_cast %get3A_168 : vector<1x16xf32> to vector<16xf32>
        %add3A_170 = arith.addf %mul3A_164, %get3A_169 : vector<16xf32>
        %swap3A_171 = arith.index_cast %scan3A_49 : i32 to index
        %swap3A_172 = arith.constant 80 : index
        %swap3A_173 = tpu.vector_load %arg16[%swap3A_171, %swap3A_172] {strides = array<i32>} : memref<146x128xf32, #tpu.memory_space<vmem>>, vector<1x16xf32>,
        %swap3A_174 = vector.shape_cast %swap3A_173 : vector<1x16xf32> to vector<16xf32>
        %swap3A_175 = vector.shape_cast %add3A_170 : vector<16xf32> to vector<1x16xf32>
        tpu.vector_store %arg16[%swap3A_171, %swap3A_172], %swap3A_175 {strides = array<i32>} : memref<146x128xf32, #tpu.memory_space<vmem>>, vector<1x16xf32>,
        %get3A_176 = arith.index_cast %scan3A_49 : i32 to index
        %get3A_177 = arith.constant 96 : index
        %get3A_178 = tpu.vector_load %arg14[%get3A_176, %get3A_177] {strides = array<i32>} : memref<26x128xf32, #tpu.memory_space<vmem>>, vector<1x16xf32>,
        %get3A_179 = vector.shape_cast %get3A_178 : vector<1x16xf32> to vector<16xf32>
        %mul3A_180 = arith.mulf %gather3A_80, %get3A_179 : vector<16xf32>
        %get3A_181 = arith.constant 0 : i32
        %get3A_182 = arith.index_cast %get3A_181 : i32 to index
        %get3A_183 = arith.constant 96 : index
        %get3A_184 = tpu.vector_load %arg15[%get3A_182, %get3A_183] {strides = array<i32>} : memref<1x128xf32, #tpu.memory_space<vmem>>, vector<1x16xf32>,
        %get3A_185 = vector.shape_cast %get3A_184 : vector<1x16xf32> to vector<16xf32>
        %add3A_186 = arith.addf %mul3A_180, %get3A_185 : vector<16xf32>
        %swap3A_187 = arith.index_cast %scan3A_49 : i32 to index
        %swap3A_188 = arith.constant 96 : index
        %swap3A_189 = tpu.vector_load %arg16[%swap3A_187, %swap3A_188] {strides = array<i32>} : memref<146x128xf32, #tpu.memory_space<vmem>>, vector<1x16xf32>,
        %swap3A_190 = vector.shape_cast %swap3A_189 : vector<1x16xf32> to vector<16xf32>
        %swap3A_191 = vector.shape_cast %add3A_186 : vector<16xf32> to vector<1x16xf32>
        tpu.vector_store %arg16[%swap3A_187, %swap3A_188], %swap3A_191 {strides = array<i32>} : memref<146x128xf32, #tpu.memory_space<vmem>>, vector<1x16xf32>,
        %get3A_192 = arith.index_cast %scan3A_49 : i32 to index
        %get3A_193 = arith.constant 112 : index
        %get3A_194 = tpu.vector_load %arg14[%get3A_192, %get3A_193] {strides = array<i32>} : memref<26x128xf32, #tpu.memory_space<vmem>>, vector<1x16xf32>,
        %get3A_195 = vector.shape_cast %get3A_194 : vector<1x16xf32> to vector<16xf32>
        %mul3A_196 = arith.mulf %gather3A_80, %get3A_195 : vector<16xf32>
        %get3A_197 = arith.constant 0 : i32
        %get3A_198 = arith.index_cast %get3A_197 : i32 to index
        %get3A_199 = arith.constant 112 : index
        %get3A_200 = tpu.vector_load %arg15[%get3A_198, %get3A_199] {strides = array<i32>} : memref<1x128xf32, #tpu.memory_space<vmem>>, vector<1x16xf32>,
        %get3A_201 = vector.shape_cast %get3A_200 : vector<1x16xf32> to vector<16xf32>
        %add3A_202 = arith.addf %mul3A_196, %get3A_201 : vector<16xf32>
        %swap3A_203 = arith.index_cast %scan3A_49 : i32 to index
        %swap3A_204 = arith.constant 112 : index
        %swap3A_205 = tpu.vector_load %arg16[%swap3A_203, %swap3A_204] {strides = array<i32>} : memref<146x128xf32, #tpu.memory_space<vmem>>, vector<1x16xf32>,
        %swap3A_206 = vector.shape_cast %swap3A_205 : vector<1x16xf32> to vector<16xf32>
        %swap3A_207 = vector.shape_cast %add3A_202 : vector<16xf32> to vector<1x16xf32>
        tpu.vector_store %arg16[%swap3A_203, %swap3A_204], %swap3A_207 {strides = array<i32>} : memref<146x128xf32, #tpu.memory_space<vmem>>, vector<1x16xf32>,
        %scan3A_208 = arith.constant 0 : i32
        scf.yield %scan3A_208 : i32
      }
      %scan3A_46 = arith.constant 26 : i32
      %add3A_47 = arith.addi %mul3A_2, %scan3A_20 : i32
      "tpu.region"() ({
        %run_scoped3A = tpu.sem_alloc : memref<!tpu.dma_semaphore, #tpu.memory_space<semaphore_mem>>
        %dma_start3A_49 = arith.constant 0 : i32
        %dma_start3A_50 = arith.constant 0 : i32
        %dma_start3A_51 = tpu.memref_slice %arg8[%add3A_47, %dma_start3A_49, %dma_start3A_50] : memref<4096x146x128xf32, #tpu.memory_space<hbm>> -> memref<1x146x128xf32, #tpu.memory_space<hbm>>
        %dma_start3A_52 = tpu.memref_squeeze %dma_start3A_51 : memref<1x146x128xf32, #tpu.memory_space<hbm>> -> memref<146x128xf32, #tpu.memory_space<hbm>>
        %dma_start3A_53 = arith.constant 0 : i32
        %dma_start3A_54 = arith.constant 0 : i32
        %dma_start3A_55 = tpu.memref_slice %arg8[%add3A_47, %dma_start3A_53, %dma_start3A_54] : memref<4096x146x128xf32, #tpu.memory_space<hbm>> -> memref<1x146x128xf32, #tpu.memory_space<hbm>>
        %dma_start3A_56 = tpu.memref_squeeze %dma_start3A_55 : memref<1x146x128xf32, #tpu.memory_space<hbm>> -> memref<146x128xf32, #tpu.memory_space<hbm>>
        tpu.enqueue_dma source(%arg16 : memref<146x128xf32, #tpu.memory_space<vmem>>) target(%dma_start3A_56 : memref<146x128xf32, #tpu.memory_space<hbm>>) target_semaphore(%run_scoped3A : memref<!tpu.dma_semaphore, #tpu.memory_space<semaphore_mem>>)
        %dma_wait3A_57 = arith.constant 0 : i32
        %dma_wait3A_58 = arith.constant 0 : i32
        %dma_wait3A_59 = tpu.memref_slice %arg8[%add3A_47, %dma_wait3A_57, %dma_wait3A_58] : memref<4096x146x128xf32, #tpu.memory_space<hbm>> -> memref<1x146x128xf32, #tpu.memory_space<hbm>>
        %dma_wait3A_60 = tpu.memref_squeeze %dma_wait3A_59 : memref<1x146x128xf32, #tpu.memory_space<hbm>> -> memref<146x128xf32, #tpu.memory_space<hbm>>
        %dma_wait3A_61 = arith.constant 0 : i32
        %dma_wait3A_62 = arith.constant 0 : i32
        %dma_wait3A_63 = tpu.memref_slice %arg8[%add3A_47, %dma_wait3A_61, %dma_wait3A_62] : memref<4096x146x128xf32, #tpu.memory_space<hbm>> -> memref<1x146x128xf32, #tpu.memory_space<hbm>>
        %dma_wait3A_64 = tpu.memref_squeeze %dma_wait3A_63 : memref<1x146x128xf32, #tpu.memory_space<hbm>> -> memref<146x128xf32, #tpu.memory_space<hbm>>
        tpu.wait_dma2 semaphore(%run_scoped3A : memref<!tpu.dma_semaphore, #tpu.memory_space<semaphore_mem>>) src(%arg16 : memref<146x128xf32, #tpu.memory_space<vmem>>) dst(%dma_wait3A_64 : memref<146x128xf32, #tpu.memory_space<hbm>>)
        tpu.yield
      }) : () -> ()
      %scan3A_48 = arith.constant 0 : i32
      scf.yield %scan3A_48 : i32
    }
    %scan3A_19 = arith.constant 128 : i32
    return
  }
}

module attributes {stable_mosaic.version = 14 : i64} {
  func.func @_table_body(%arg0: i32, %arg1: memref<800x128xf32, #tpu.memory_space<vmem>>, %arg2: memref<1x128xf32, #tpu.memory_space<vmem>>, %arg3: memref<1x128xf32, #tpu.memory_space<vmem>>, %arg4: memref<128x128xf32, #tpu.memory_space<vmem>>, %arg5: memref<1x128xf32, #tpu.memory_space<vmem>>, %arg6: memref<800x128xf32, #tpu.memory_space<vmem>>, %arg7: memref<1x128xf32, #tpu.memory_space<vmem>>) attributes {dimension_semantics = [#tpu.dimension_semantics<arbitrary>], iteration_bounds = array<i64: 125>, scalar_prefetch = 0 : i64, scratch_operands = 0 : i64, tpu.core_type = #tpu.core_type<tc>, window_params = [{transform_indices = @transform_0, window_bounds = array<i64: 800, 128>}, {pipeline_mode = #tpu.pipeline_mode<synchronous>, transform_indices = @transform_1, window_bounds = array<i64: 1, 128>}, {pipeline_mode = #tpu.pipeline_mode<synchronous>, transform_indices = @transform_2, window_bounds = array<i64: 1, 128>}, {pipeline_mode = #tpu.pipeline_mode<synchronous>, transform_indices = @transform_3, window_bounds = array<i64: 128, 128>}, {pipeline_mode = #tpu.pipeline_mode<synchronous>, transform_indices = @transform_4, window_bounds = array<i64: 1, 128>}, {transform_indices = @transform_5, window_bounds = array<i64: 800, 128>}, {pipeline_mode = #tpu.pipeline_mode<synchronous>, transform_indices = @transform_6, window_bounds = array<i64: 1, 128>}]} {
    %get3A = arith.constant 0 : index
    %get3A_0 = arith.constant 0 : index
    %get3A_1 = vector.load %arg1[%get3A, %get3A_0] : memref<800x128xf32, #tpu.memory_space<vmem>>, vector<800x128xf32>
    %reduce_sum3A = arith.constant dense<0.000000e+00> : vector<800xf32>
    %reduce_sum3A_2 = vector.multi_reduction <add>, %get3A_1, %reduce_sum3A [1] : vector<800x128xf32> to vector<800xf32>
    %broadcast_in_dim3A = vector.shape_cast %reduce_sum3A_2 : vector<800xf32> to vector<800x1xf32>
    %div3A = arith.constant 1.280000e+02 : f32
    %div3A_3 = vector.broadcast %div3A : f32 to vector<800x1xf32>
    %div3A_4 = arith.divf %broadcast_in_dim3A, %div3A_3 : vector<800x1xf32>
    %sub3A = vector.broadcast %div3A_4 : vector<800x1xf32> to vector<800x128xf32>
    %sub3A_5 = arith.subf %get3A_1, %sub3A : vector<800x128xf32>
    %mul3A = arith.mulf %sub3A_5, %sub3A_5 : vector<800x128xf32>
    %reduce_sum3A_6 = arith.constant dense<0.000000e+00> : vector<800xf32>
    %reduce_sum3A_7 = vector.multi_reduction <add>, %mul3A, %reduce_sum3A_6 [1] : vector<800x128xf32> to vector<800xf32>
    %broadcast_in_dim3A_8 = vector.shape_cast %reduce_sum3A_7 : vector<800xf32> to vector<800x1xf32>
    %div3A_9 = arith.constant 1.280000e+02 : f32
    %div3A_10 = vector.broadcast %div3A_9 : f32 to vector<800x1xf32>
    %div3A_11 = arith.divf %broadcast_in_dim3A_8, %div3A_10 : vector<800x1xf32>
    %add3A = arith.constant 9.99999974E-6 : f32
    %add3A_12 = vector.broadcast %add3A : f32 to vector<800x1xf32>
    %add3A_13 = arith.addf %div3A_11, %add3A_12 : vector<800x1xf32>
    %rsqrt3A = math.rsqrt %add3A_13 : vector<800x1xf32>
    %mul3A_14 = vector.broadcast %rsqrt3A : vector<800x1xf32> to vector<800x128xf32>
    %mul3A_15 = arith.mulf %sub3A_5, %mul3A_14 : vector<800x128xf32>
    %get3A_16 = arith.constant 0 : index
    %get3A_17 = arith.constant 0 : index
    %get3A_18 = vector.load %arg2[%get3A_16, %get3A_17] : memref<1x128xf32, #tpu.memory_space<vmem>>, vector<1x128xf32>
    %mul3A_19 = vector.broadcast %get3A_18 : vector<1x128xf32> to vector<800x128xf32>
    %mul3A_20 = arith.mulf %mul3A_15, %mul3A_19 : vector<800x128xf32>
    %get3A_21 = arith.constant 0 : index
    %get3A_22 = arith.constant 0 : index
    %get3A_23 = vector.load %arg3[%get3A_21, %get3A_22] : memref<1x128xf32, #tpu.memory_space<vmem>>, vector<1x128xf32>
    %add3A_24 = vector.broadcast %get3A_23 : vector<1x128xf32> to vector<800x128xf32>
    %add3A_25 = arith.addf %mul3A_20, %add3A_24 : vector<800x128xf32>
    %get3A_26 = arith.constant 0 : index
    %get3A_27 = arith.constant 0 : index
    %get3A_28 = vector.load %arg4[%get3A_26, %get3A_27] : memref<128x128xf32, #tpu.memory_space<vmem>>, vector<128x128xf32>
    %dot_general3A = arith.constant dense<0.000000e+00> : vector<800x128xf32>
    %dot_general3A_29 = tpu.matmul %add3A_25, %get3A_28, %dot_general3A {dimension_numbers = #tpu.dot_dimension_numbers<[1], [1], [0], [0], [0, 0, 1, 0], [], []>, transpose_lhs_hint = false} : vector<800x128xf32>, vector<128x128xf32>, vector<800x128xf32> -> vector<800x128xf32>
    %swap3A = arith.constant 0 : index
    %swap3A_30 = arith.constant 0 : index
    %swap3A_31 = vector.load %arg6[%swap3A, %swap3A_30] : memref<800x128xf32, #tpu.memory_space<vmem>>, vector<800x128xf32>
    tpu.vector_store %arg6[%swap3A, %swap3A_30], %dot_general3A_29 {strides = array<i32>} : memref<800x128xf32, #tpu.memory_space<vmem>>, vector<800x128xf32>,
    %eq3A = arith.constant 0 : i32
    %eq3A_32 = arith.cmpi eq, %arg0, %eq3A : i32
    %convert_element_type3A = arith.extui %eq3A_32 : i1 to i32
    %cond3A = arith.constant 0 : i32
    %cond3A_33 = arith.cmpi ne, %convert_element_type3A, %cond3A : i32
    scf.if %cond3A_33 {
      %get3A_34 = arith.constant 0 : index
      %get3A_35 = arith.constant 0 : index
      %get3A_36 = vector.load %arg5[%get3A_34, %get3A_35] : memref<1x128xf32, #tpu.memory_space<vmem>>, vector<1x128xf32>
      %get3A_37 = arith.constant 0 : index
      %get3A_38 = arith.constant 0 : index
      %get3A_39 = vector.load %arg4[%get3A_37, %get3A_38] : memref<128x128xf32, #tpu.memory_space<vmem>>, vector<128x128xf32>
      %dot_general3A_40 = arith.constant dense<0.000000e+00> : vector<1x128xf32>
      %dot_general3A_41 = tpu.matmul %get3A_36, %get3A_39, %dot_general3A_40 {dimension_numbers = #tpu.dot_dimension_numbers<[1], [1], [0], [0], [0, 0, 1, 0], [], []>, transpose_lhs_hint = false} : vector<1x128xf32>, vector<128x128xf32>, vector<1x128xf32> -> vector<1x128xf32>
      %swap3A_42 = arith.constant 0 : index
      %swap3A_43 = arith.constant 0 : index
      %swap3A_44 = vector.load %arg7[%swap3A_42, %swap3A_43] : memref<1x128xf32, #tpu.memory_space<vmem>>, vector<1x128xf32>
      tpu.vector_store %arg7[%swap3A_42, %swap3A_43], %dot_general3A_41 {strides = array<i32>} : memref<1x128xf32, #tpu.memory_space<vmem>>, vector<1x128xf32>,
    } else {
    }
    return
  }
  func.func @transform_0(%arg0: i32) -> (i32, i32) {
    %c0_i32 = arith.constant 0 : i32
    %c0_i32_0 = arith.constant 0 : i32
    return %arg0, %c0_i32 : i32, i32
  }
  func.func @transform_1(%arg0: i32) -> (i32, i32) {
    %c0_i32 = arith.constant 0 : i32
    %c0_i32_0 = arith.constant 0 : i32
    %c0_i32_1 = arith.constant 0 : i32
    return %c0_i32, %c0_i32_0 : i32, i32
  }
  func.func @transform_2(%arg0: i32) -> (i32, i32) {
    %c0_i32 = arith.constant 0 : i32
    %c0_i32_0 = arith.constant 0 : i32
    %c0_i32_1 = arith.constant 0 : i32
    return %c0_i32, %c0_i32_0 : i32, i32
  }
  func.func @transform_3(%arg0: i32) -> (i32, i32) {
    %c0_i32 = arith.constant 0 : i32
    %c0_i32_0 = arith.constant 0 : i32
    %c0_i32_1 = arith.constant 0 : i32
    return %c0_i32, %c0_i32_0 : i32, i32
  }
  func.func @transform_4(%arg0: i32) -> (i32, i32) {
    %c0_i32 = arith.constant 0 : i32
    %c0_i32_0 = arith.constant 0 : i32
    %c0_i32_1 = arith.constant 0 : i32
    return %c0_i32, %c0_i32_0 : i32, i32
  }
  func.func @transform_5(%arg0: i32) -> (i32, i32) {
    %c0_i32 = arith.constant 0 : i32
    %c0_i32_0 = arith.constant 0 : i32
    return %arg0, %c0_i32 : i32, i32
  }
  func.func @transform_6(%arg0: i32) -> (i32, i32) {
    %c0_i32 = arith.constant 0 : i32
    %c0_i32_0 = arith.constant 0 : i32
    %c0_i32_1 = arith.constant 0 : i32
    return %c0_i32, %c0_i32_0 : i32, i32
  }
}

</mosaic_0001>

<sc_bundles>
// kernel: kernel.4.cloned.1.call-start
scs
__scs_entry_jumppad:
0x0: {  	(pc) =	sbr.rel $0x88, $3  }
0x1: {  	(tag) =	ssettag $0x0;
	lr =	simm.s32 $0x1  }
0x2: {  	[smem:$0x3F95] =	sst lr;
	_ =	strace $0xD0000000  }
0x3: {  	_ = 	snop  }
0x4: {  	_ = 	snop  }
0x5: {  	_ = 	snop  }
0x6: {  	_ = 	snop  }
0x7: {  	_ = 	snop  }
__scs_overlays_trampoline_lowered:
0x8: {  	[smem:$0x3FA4] =	sst s0  }
0x9: {  	[smem:$0x3FA5] =	sst s1  }
0xa: {  	[smem:$0x3FA6] =	sst s2  }
0xb: {  	[smem:$0x3FA7] =	sst s3  }
0xc: {  	[smem:$0x3FA8] =	sst s4  }
0xd: {  	[smem:$0x3FA9] =	sst s5  }
0xe: {  	[smem:$0x3FAA] =	sst s6  }
0xf: {  	[smem:$0x3FAB] =	sst s7  }
0x10: {  	[smem:$0x3FAC] =	sst s8  }
0x11: {  	[smem:$0x3FAD] =	sst s9;
	s0 =	simm.s32 @!p0 $0x0  }
0x12: {  	s1 =	sld [smem:$0x3F93];
	s0 =	simm.s32 @p0 $0x1  }
0x13: {  	[smem:$0x3FAE] =	sst s0;
	s0 =	simm.s32 @!p1 $0x0  }
0x14: {  	s2 =	sld [smem:$0x3F92];
	s0 =	simm.s32 @p1 $0x1  }
0x15: {  	[smem:$0x3FAF] =	sst s0;
	s0 =	simm.s32 @!p2 $0x0  }
0x16: {  	s3 =	sld [smem:$0x3FDB];
	s0 =	simm.s32 @p2 $0x1  }
0x17: {  	s4 =	simm.s32 $0x1BF5;
	[smem:$0x3FB1] =	sst s0  }
0x18: {  	s0 =	sld [smem:$0x3F94];
	_ =	swait.ge [sflag:s4], $0x0  }
0x19: {  	s7 =	sld [smem:$0x3F95]  }
0x1a: {  	s8 =	sadd.s32 $0xFFFFE003, lr  }
0x1b: {  	s9 =	sadd.s32 $0xFFFFFEF7, lr;
	s5 =	simm.s32 $0xFFFFFFFF;
	p2 =	slt.u32 s8, $0xFFFFF086  }
0x1c: {  	p1 =	slt.u32 s9, $0xF7A;
	s5 =	simm.s32 @!p2 $0x0  }
0x1d: {  	s5 =	simm.s32 @p1 $0x1;
	p0 =	seq.s32 s7, s2  }
0x1e: {  	s7 =	smul.u32 @!p0 $0xF7A, s2;
	p2 =	seq.s32 @!p0 s5, $0x0  }
0x1f: {  	s9 =	smul.u32 $0xF7A, s1;
	s8 =	simm.s32 @!p0 $0x1BF5;
	p2 =	por !p2, p0  }
0x20: {  	[sflag:s8] =	ssyncset.s32 @!p0 $0xFFFFF086;
	s6 =	sadd.s32 @!p0 s3, s7;
	s7 =	simm.s32 @!p0 $0x108  }
0x21: {  	s3 =	sadd.s32 s3, s9;
	s6 =	sadd.s32 @!p0 $0x88, s6;
	s7 =	simm.s32 @p2 $0x1082  }
0x22: {  	[simem:s7], [sflag:s8] =	dma.local @!p0 [hbm:s6], $0xF7A  }
0x23: {  	s9 =	sor.u32 $0xD0000000, s2;
	s6 =	simm.s32 $0x108;
	_ =	swait.ge @!p0 [sflag:s8], $0x0  }
0x24: {  	s3 =	sadd.s32 $0x88, s3;
	s6 =	simm.s32 @!p1 $0x1082;
	[sflag:s4] =	ssyncset.s32 $0xFFFFF086  }
0x25: {  	[simem:s6], [sflag:s4] =	dma.local [hbm:s3], $0xF7A  }
0x26: {  	[smem:$0x3F95] =	sst s1;
	(tag) =	ssettag s2;
	_ =	strace s9  }
0x27: {  	s1 =	sld [smem:$0x3FA5]  }
0x28: {  	s2 =	sld [smem:$0x3FA6]  }
0x29: {  	s4 =	sld [smem:$0x3FA8]  }
0x2a: {  	p0 =	seq.s32 s5, $0x0;
	s5 =	sld [smem:$0x3FA9]  }
0x2b: {  	s6 =	sld [smem:$0x3FAA]  }
0x2c: {  	s7 =	sld [smem:$0x3FAB]  }
0x2d: {  	s3 =	simm.s32 $0x108;
	s8 =	sld [smem:$0x3FAC]  }
0x2e: {  	s3 =	simm.s32 @!p0 $0x1082;
	s9 =	sld [smem:$0x3FAD]  }
0x2f: {  	lr =	sadd.s32 s0, s3;
	s0 =	sld [smem:$0x3FA4]  }
0x30: {  	s3 =	sld [smem:$0x3FA7]  }
0x31: {  	[smem:$0x3FB0] =	sst s10  }
0x32: {  	s10 =	sld [smem:$0x3FAE];
	_ =	sdelay $0x3  }
0x33: {  	p0 =	seq.s32 s10, $0x1;
	s10 =	sld [smem:$0x3FB0];
	_ =	sdelay $0x3  }
0x34: {  	[smem:$0x3FB0] =	sst s10  }
0x35: {  	s10 =	sld [smem:$0x3FAF];
	_ =	sdelay $0x3  }
0x36: {  	p1 =	seq.s32 s10, $0x1;
	s10 =	sld [smem:$0x3FB0];
	_ =	sdelay $0x3  }
0x37: {  	[smem:$0x3FB0] =	sst s10  }
0x38: {  	s10 =	sld [smem:$0x3FB1]  }
0x39: {  	_ = 	snop;
	(pc) =	sbr.ind lr, $3  }
0x3a: {  	_ = 	snop  }
0x3b: {  	_ = 	snop  }
0x3c: {  	p2 =	seq.s32 s10, $0x1;
	s10 =	sld [smem:$0x3FB0]  }
0x3d: {  	_ =	shalt  }
0x3e: {  	_ =	shalt  }
0x3f: {  	_ =	shalt  }
0x40: {  	_ =	shalt  }
0x41: {  	_ =	shalt  }
0x42: {  	_ =	shalt  }
0x43: {  	_ =	shalt  }
0x44: {  	_ =	shalt  }
0x45: {  	_ =	shalt  }
0x46: {  	_ =	shalt  }
0x47: {  	_ =	shalt  }
0x48: {  	_ =	shalt  }
0x49: {  	_ =	shalt  }
0x4a: {  	_ =	shalt  }
0x4b: {  	_ =	shalt  }
0x4c: {  	_ =	shalt  }
0x4d: {  	_ =	shalt  }
0x4e: {  	_ =	shalt  }
0x4f: {  	_ =	shalt  }
0x50: {  	_ =	shalt  }
0x51: {  	_ =	shalt  }
0x52: {  	_ =	shalt  }
0x53: {  	_ =	shalt  }
0x54: {  	_ =	shalt  }
0x55: {  	_ =	shalt  }
0x56: {  	_ =	shalt  }
0x57: {  	_ =	shalt  }
0x58: {  	_ =	shalt  }
0x59: {  	_ =	shalt  }
0x5a: {  	_ =	shalt  }
0x5b: {  	_ =	shalt  }
0x5c: {  	_ =	shalt  }
0x5d: {  	_ =	shalt  }
0x5e: {  	_ =	shalt  }
0x5f: {  	_ =	shalt  }
0x60: {  	_ =	shalt  }
0x61: {  	_ =	shalt  }
0x62: {  	_ =	shalt  }
0x63: {  	_ =	shalt  }
0x64: {  	_ =	shalt  }
0x65: {  	_ =	shalt  }
0x66: {  	_ =	shalt  }
0x67: {  	_ =	shalt  }
0x68: {  	_ =	shalt  }
0x69: {  	_ =	shalt  }
0x6a: {  	_ =	shalt  }
0x6b: {  	_ =	shalt  }
0x6c: {  	_ =	shalt  }
0x6d: {  	_ =	shalt  }
0x6e: {  	_ =	shalt  }
0x6f: {  	_ =	shalt  }
0x70: {  	_ =	shalt  }
0x71: {  	_ =	shalt  }
0x72: {  	_ =	shalt  }
0x73: {  	_ =	shalt  }
0x74: {  	_ =	shalt  }
0x75: {  	_ =	shalt  }
0x76: {  	_ =	shalt  }
0x77: {  	_ =	shalt  }
0x78: {  	_ =	shalt  }
0x79: {  	_ =	shalt  }
0x7a: {  	_ =	shalt  }
0x7b: {  	_ =	shalt  }
0x7c: {  	_ =	shalt  }
0x7d: {  	_ =	shalt  }
0x7e: {  	_ =	shalt  }
0x7f: {  	_ =	shalt  }
0x80: {  	_ =	shalt  }
0x81: {  	_ =	shalt  }
0x82: {  	_ =	shalt  }
0x83: {  	_ =	shalt  }
0x84: {  	_ =	shalt  }
0x85: {  	_ =	shalt  }
0x86: {  	_ =	shalt  }
0x87: {  	_ =	shalt  }
.Lfunc_end0:
.L_simem_size_0:
called_computation_lowered:
.L_overlay_start_0:
0x88: {  	s2 =	sld [smem:$0x3FD9]  }
0x89: {  	s3 =	sld [smem:$0x3FFE];
	_ =	sdelay $0x1  }
0x8a: {  	s1 =	srdreg.scid  }
0x8b: {  	s0 =	sand.u32 $0x1, s1  }
0x8c: {  	s14 =	sshll.u32 s0, $0xA;
	s2 =	sadd.s32 s3, s2  }
0x8d: {  	s2 =	sadd.s32 s2, s14  }
0x8e: {  	[smem:$0x3FBC] =	sst s2  }
0x8f: {  	_ = 	snop  }
0x90: {  	s2 =	sld [smem:$0x3FD0];
	_ =	sdelay $0x2  }
0x91: {  	s15 =	simm.s32 $0xA;
	s4 =	simm.s32 $0x10  }
0x92: {  	[smem:s4], [sflag:s15] =	dma.local [hbm:s2], $0x1  }
0x93: {  	_ =	swait.eq [sflag:s15], $0x1  }
0x94: {  	[sflag:s15] =	ssyncset.done $0x0  }
0x95: {  	[sflag:s15] =	ssyncadd.s32 $0xFFFFFFFF  }
0x96: {  	s16 =	sld [smem:$0x10];
	(tm) =	ssettm $0x1  }
0x97: {  	s17 =	sld [smem:$0x3FFB];
	_ =	sdelay $0x3  }
0x98: {  	_ =	strace s17  }
0x99: {  	s3 =	sld [smem:$0x3FFC];
	_ =	sdelay $0x3  }
0x9a: {  	_ =	strace s3  }
0x9b: {  	s3 =	sld [smem:$0x3FFD];
	_ =	sdelay $0x3  }
0x9c: {  	_ =	strace s3  }
0x9d: {  	_ =	strace $0x8FFFFFFF  }
0x9e: {  	s18 =	sld [smem:$0x3FDB];
	_ =	sdelay $0x1  }
0x9f: {  	s19 =	simm.s32 $_scs_section_size  }
0xa0: {  	s5 =	simm.s32 $_size__tile_overlayer_lowered;
	s6 =	simm.s32 $_tile_overlayer_lowered  }
0xa1: {  	s22 =	simm.s32 $0x1BFF;
	s21 =	sshll.u32 s6, $0x1;
	s3 =	sadd.s32 s19, s18  }
0xa2: {  	s7 =	simm.s32 $0x0;
	s20 =	sshll.u32 s5, $0x1;
	s5 =	sadd.s32 s21, s3  }
0xa3: {  	[timem:s7], [sflag:s22] =	dma.local [hbm:s5], s20  }
0xa4: {  	_ =	swait.ge [sflag:s22], s20  }
0xa5: {  	s4 =	ssub.s32 $0x0, s20;
	[sflag:s22] =	ssyncset.done $0x0  }
0xa6: {  	[sflag:s22] =	ssyncadd.s32 s4;
	_ =	sdelay $0x1  }
0xa7: {  	s23 =	simm.s32 $0x1B8B  }
0xa8: {  	_ =	swait.ge [sflag:s23], $0x1  }
0xa9: {  	[sflag:s23] =	ssyncset.done $0x0  }
0xaa: {  	s25 =	simm.s32 $0x1B8E;
	s24 =	sld [smem:$0x3FFE];
	[sflag:s23] =	ssyncadd.s32 $0xFFFFFFFF  }
0xab: {  	s26 =	simm.s32 $execute0_lowered;
	[smem:$0x3FD2] =	sst s25  }
0xac: {  	s5 =	sshll.u32 s26, $0x1;
	_ =	strace $0x80000046;
	[dreg:$0x1] =	wrdreg $0xFFFFFFFF  }
0xad: {  	s28 =	simm.s32 $_size_execute0_lowered;
	s3 =	sadd.s32 s3, s5;
	[dreg:$0x0] =	wrdreg $0x0  }
0xae: {  	s5 =	sshll.u32 s28, $0x1;
	[dreg:$0x2] =	wrdreg s3  }
0xaf: {  	[dreg:$0x3] =	wrdreg s5  }
0xb0: {  	[dreg:$0x4] =	wrdreg $0xC0  }
0xb1: {  	_ =	task [dreg:s7], $0x5FFFF  }
0xb2: {  	[dreg:$0x1] =	wrdreg $0xFFFFFFFF  }
0xb3: {  	[dreg:$0x0] =	wrdreg $0x60  }
0xb4: {  	[dreg:$0x2] =	wrdreg s16  }
0xb5: {  	[dreg:$0x3] =	wrdreg s24  }
0xb6: {  	[dreg:$0x4] =	wrdreg $0x9  }
0xb7: {  	_ =	task.clear_ibuf [dreg:s7], $0x5FFFF;
	_ =	strace $0x90000046  }
0xb8: {  	s29 =	simm.s32 $0x9;
	_ =	strace $0x80000048  }
0xb9: {  	_ =	swait.ge [sflag:s29], $0x1  }
0xba: {  	[sflag:s29] =	ssyncadd.s32 $0xFFFFFFFF  }
0xbb: {  	_ =	strace $0x90000048  }
0xbc: {  	_ =	sfence  }
0xbd: {  	s30 =	sld [smem:$0x0];
	_ =	sdelay $0x2  }
0xbe: {  	s31 =	sshll.u32 s1, $0xD;
	s1 =	sshrl.u32 s1, $0x2  }
0xbf: {  	s3 =	sand.u32 $0x4000, s31;
	s1 =	sadd.s32 s1, s30  }
0xc0: {  	s0 =	sor.u32 s3, s0;
	s1 =	sshll.u32 s1, $0x11  }
0xc1: {  	s0 =	sor.u32 s1, s0  }
0xc2: {  	s0 =	sadd.s32 $0x8F2B, s0  }
0xc3: {  	[sflag:s0] =	ssyncadd.remote.s32 $0x1  }
0xc4: {  	_ =	sfence.sel $0xFFFF  }
0xc5: {  	[dreg:$0x0] =	wrdreg $0xFFFFFFFF;
	(pc) =	sbr.abs _section_cstart, $3  }
0xc6: {  	[dreg:$0x1] =	wrdreg $0xFFFFFFFF  }
0xc7: {  	_ =	task.clear_ibuf [dreg:s7], $0x2FFFF;
	_ =	strace $0x9FFFFFFF  }
0xc8: {  	(tm) =	ssettm $0x7FFFFFFF  }
0xc9: {  	_ =	shalt  }
tec
execute0_lowered:
.L_overlay_start_1:
0x0: {  	(tag) =	ssettag $0x1  }
0x1: {  	s1 =	srdreg.scid  }
0x2: {  	s2 =	rddreg [dreg:$0x0];
	s0 =	stileid.u32  }
0x3: {  	s8 =	rddreg [dreg:$0x1];
	s3 =	simm.s32 $0x0;
	s12 =	simm.s32 $0x2  }
0x4: {  	s14 =	simm.s32 $0x8000;
	s16 =	simm.s32 $0xFA00;
	s17 =	simm.s32 $0xD0  }
0x5: {  	s18 =	simm.s32 $0x8200;
	s19 =	simm.s32 $0x1;
	s20 =	simm.s32 $0x78  }
0x6: {  	s21 =	simm.s32 $0x10780;
	s22 =	simm.s32 $0xFA80;
	s23 =	simm.s32 $0x0  }
0x7: {  	s1 =	sand.u32 $0x1, s1;
	s4 =	sshll.u32 s0, $0x8;
	[smem:$0x7FF] =	sst s3  }
0x8: {  	s6 =	sadd.s32 $0x1E00, s8;
	s5 =	sshll.u32 s1, $0x7;
	s1 =	ssub.s32 $0x2, s1  }
0x9: {  	s7 =	sadd.s32 $0x22000, s8;
	s4 =	sor.u32 s5, s4;
	s9 =	sshrl.u32 s1, $0x1  }
0xa: {  	_ =	strace $0x80000047;
	s5 =	sshll.u32 s4, $0x4;
	s1 =	ssub.s32 s1, s9  }
0xb: {  	s10 =	sadd.s32 s5, s8;
	s5 =	sadd.s32 $0x1C00, s8;
	s8 =	sadd.s32 $0x22200, s8  }
0xc: {  	s11 =	smax.u32 s1, $0x1;
	s9 =	sadd.s32 $0x2000, s10;
	s10 =	sadd.s32 $0x12000, s10  }
.LBB2_1:
0xd: {  	[tilespmem:s3], [sflag:$0x2] =	stream.linear.gather [hbm4b:s9+s3], $0x4000, $0x38;
	[tilespmem:$0x14680] =	vst v63  }
0xe: {  	_ =	swait.ge [sflag:s12], $0x4000  }
0xf: {  	[sflag:s12] =	ssyncset.done $0x0  }
0x10: {  	s0 =	simm.s32 $0x4000;
	[sflag:s12] =	ssyncadd.s32 $0xFFFFC000  }
0x11: {  	[tilespmem:s0], [sflag:$0x2] =	stream.linear.gather [hbm4b:s10+s3], $0x4000, $0x38;
	[tilespmem:$0x14680] =	vst v63  }
0x12: {  	_ =	swait.ge [sflag:s12], $0x4000  }
0x13: {  	[sflag:s12] =	ssyncset.done $0x0  }
0x14: {  	[sflag:s12] =	ssyncadd.s32 $0xFFFFC000  }
0x15: {  	[tilespmem:s14], [sflag:$0x2] =	stream.linear.gather [hbm4b:s5+s3], $0x100, $0x38;
	[tilespmem:$0x14680] =	vst v63  }
0x16: {  	_ =	swait.ge [sflag:s12], $0x100  }
0x17: {  	[sflag:s12] =	ssyncset.done $0x0  }
0x18: {  	s31 =	simm.s32 $0x8100;
	[sflag:s12] =	ssyncadd.s32 $0xFFFFFF00  }
0x19: {  	[tilespmem:s31], [sflag:$0x2] =	stream.linear.gather [hbm4b:s6+s3], $0x100, $0x38;
	[tilespmem:$0x14680] =	vst v63  }
0x1a: {  	_ =	swait.ge [sflag:s12], $0x100  }
0x1b: {  	[sflag:s12] =	ssyncset.done $0x0  }
0x1c: {  	[sflag:s12] =	ssyncadd.s32 $0xFFFFFF00  }
0x1d: {  	[tilespmem:s16], [sflag:$0x2] =	stream.linear.gather [hbm4b:s7+s3], $0x80, $0x38;
	[tilespmem:$0x14680] =	vst v63  }
0x1e: {  	_ =	swait.ge [sflag:s12], $0x80  }
0x1f: {  	[sflag:s12] =	ssyncset.done $0x0  }
0x20: {  	[sflag:s12] =	ssyncadd.s32 $0xFFFFFF80  }
0x21: {  	[tilespmem:s18], [sflag:$0x1] =	stream.indirect.gather [hbm4b:s2+s17], $0x80, s14, s17, $0xb8;
	[tilespmem:$0x14680] =	vst v63  }
0x22: {  	_ =	swait.ge [sflag:s19], $0x6800  }
0x23: {  	[sflag:s19] =	ssyncset.done $0x0  }
0x24: {  	s24 =	simm.s32 $0x8400;
	[sflag:s19] =	ssyncadd.s32 $0xFFFF9800  }
0x25: {  	v11 =	vld [tilespmem:s24+$0x160]  }
0x26: {  	v5 =	vld [tilespmem:s24+$0x170]  }
0x27: {  	v1 =	vld [tilespmem:s24+$0x1A0]  }
0x28: {  	v15 =	vld [tilespmem:s24+$0xFFFFFF10]  }
0x29: {  	v22 =	vld [tilespmem:s24+$0xFFFFFFD0]  }
0x2a: {  	v3 =	vld [tilespmem:s24+$0x1F0]  }
0x2b: {  	v23 =	vld [tilespmem:s24+$0xFFFFFFE0]  }
0x2c: {  	v4 =	vld [tilespmem:s24+$0x150]  }
0x2d: {  	v16 =	vld [tilespmem:s24+$0xFFFFFF90]  }
0x2e: {  	v13 =	vld [tilespmem:s24+$0x0]  }
0x2f: {  	v17 =	vld [tilespmem:s24+$0xFFFFFFF0]  }
0x30: {  	v8 =	vld [tilespmem:s24+$0x1B0]  }
0x31: {  	v14 =	vld [tilespmem:s24+$0xFFFFFF00]  }
0x32: {  	v10 =	vld [tilespmem:s24+$0x70]  }
0x33: {  	v18 =	vld [tilespmem:s24+$0x20]  }
0x34: {  	s1 =	sand.u32 $0xF0, s3;
	v19 =	vld [tilespmem:s24+$0xFFFFFFB0]  }
0x35: {  	v9 =	vld [tilespmem:s1+$0x8100]  }
0x36: {  	v21 =	vld [tilespmem:s24+$0xFFFFFF50]  }
0x37: {  	s0 =	sand.u32 $0xF, s3;
	v7 =	vld [tilespmem:s24+$0xFFFFFE30]  }
0x38: {  	s25 =	sand.u32 $0x8, s3;
	s26 =	sadd.s32 $0x7, s0;
	s28 =	sadd.s32 $0x5, s0;
	v6 =	vld [tilespmem:s24+$0xFFFFFE20]  }
0x39: {  	v0 =	vmov s25;
	s13 =	sadd.s32 $0x1, s0;
	v2 =	vmov s26;
	v24 =	vmov s28;
	v20 =	vld [tilespmem:s24+$0xFFFFFEB0]  }
0x3a: {  	s15 =	sadd.s32 $0x2, s0;
	v27 =	vmov s13;
	v26 =	vld [tilespmem:s24+$0xFFFFFE50];
	v25 =	vperm.xlane v9, v0;
	v0 =	vperm.xlane v9, v2  }
0x3b: {  	v29 =	vmov s15;
	v37 =	vld [tilespmem:s24+$0xFFFFFF30];
	v2 =	vperm.xlane v9, v24;
	v30 =	vperm.xlane v9, v27  }
0x3c: {  	s26 =	sadd.s32 $0x6, s0;
	v40 =	vld [tilespmem:s24+$0xFFFFFF40];
	v29 =	vperm.xlane v9, v29;
	v1 =	vmul.f32 v1, v0  }
0x3d: {  	v31 =	vmov s26;
	v36 =	vld [tilespmem:s24+$0xFFFFFEE0];
	v32 =	vmul.f32 v6, v25;
	v3 =	vmul.f32 v3, v0  }
0x3e: {  	v12 =	vld [tilespmem:s24+$0xFFFFFE40];
	v6 =	vperm.xlane v9, v31;
	v35 =	vmul.f32 v7, v25  }
0x3f: {  	v27 =	vld [tilespmem:s24+$0xFFFFFF20];
	v24 =	vadd.f32 $0.0e+00, v25;
	v26 =	vmul.f32 v26, v25;
	v60 =	vmul.f32 v20, v30  }
0x40: {  	v28 =	vld [tilespmem:s24+$0xFFFFFEC0];
	v44 =	vmul.f32 v14, v29;
	v14 =	vmul.f32 v21, v29  }
0x41: {  	s31 =	sadd.s32 $0x3, s0;
	v58 =	vld [tilespmem:s24+$0xFFFFFE90];
	v37 =	vmul.f32 v37, v29;
	v52 =	vmul.f32 v40, v29;
	v24 =	vadd.f32 v30, v24  }
0x42: {  	v39 =	vld [tilespmem:s24+$0xFFFFFF80];
	v31 =	vmov s31;
	v48 =	vmul.f32 v36, v30;
	v15 =	vmul.f32 v15, v29  }
0x43: {  	s1 =	sadd.s32 $0x4, s0;
	v63 =	vld [tilespmem:s24+$0xFFFFFED0];
	v41 =	vperm.xlane v9, v31;
	v4 =	vmul.f32 v4, v6;
	v24 =	vadd.f32 v29, v24  }
0x44: {  	v33 =	vld [tilespmem:s24+$0xFFFFFF60];
	v7 =	vmul.f32 v5, v6;
	v42 =	vmul.f32 v27, v29;
	v27 =	vmov s1  }
0x45: {  	v34 =	vld [tilespmem:s24+$0xFFFFFFA0];
	v38 =	vadd.f32 $0.0e+00, v32;
	v9 =	vperm.xlane v9, v27;
	v24 =	vadd.f32 v41, v24  }
0x46: {  	v43 =	vld [tilespmem:s24+$0xFFFFFE70];
	v5 =	vmul.f32 v8, v0;
	v59 =	vadd.f32 $0.0e+00, v35;
	v32 =	vmul.f32 v58, v30  }
0x47: {  	v31 =	vld [tilespmem:s24+$0xFFFFFE00];
	v11 =	vmul.f32 v11, v6;
	v8 =	vmul.f32 v18, v9;
	v18 =	vadd.f32 v9, v24  }
0x48: {  	v20 =	vadd.f32 $0.0e+00, v26;
	v26 =	vld [tilespmem:s24+$0xFFFFFE10];
	v35 =	vmul.f32 v63, v30;
	v21 =	vmul.f32 v39, v41  }
0x49: {  	v46 =	vld [tilespmem:s24+$0xFFFFFEF0];
	v62 =	vmul.f32 v19, v41;
	v24 =	vmul.f32 v28, v30;
	v28 =	vadd.f32 v2, v18  }
0x4a: {  	v61 =	vld [tilespmem:s24+$0x10];
	v19 =	vmul.f32 v17, v41;
	v27 =	vmul.f32 v12, v25  }
0x4b: {  	v45 =	vld [tilespmem:s24+$0xFFFFFE60];
	v22 =	vmul.f32 v22, v41;
	v12 =	vmul.f32 v34, v41;
	v28 =	vadd.f32 v6, v28  }
0x4c: {  	v54 =	vld [tilespmem:s24+$0xFFFFFEA0];
	v34 =	vadd.f32 v60, v59;
	v27 =	vadd.f32 $0.0e+00, v27;
	v17 =	vmul.f32 v13, v9  }
0x4d: {  	v26 =	vmul.f32 v26, v25;
	v13 =	vadd.f32 v0, v28;
	v28 =	vmul.f32 v31, v25;
	v31 =	vld [tilespmem:s24+$0xFFFFFF70]  }
0x4e: {  	v47 =	vld [tilespmem:s24+$0xFFFFFE80];
	v59 =	vmul.f32 v46, v30;
	v10 =	vmul.f32 v10, v9;
	v34 =	vadd.f32 v37, v34  }
0x4f: {  	v55 =	vld [tilespmem:s24+$0x50];
	v58 =	vadd.f32 $0.0e+00, v26;
	v18 =	vmul.f32 v33, v29;
	v27 =	vadd.f32 v24, v27  }
0x50: {  	v57 =	vld [tilespmem:s24+$0x60];
	v24 =	vmul.f32 v16, v41;
	v53 =	vadd.f32 $0.0e+00, v28;
	v28 =	vmul.f32 v43, v25  }
0x51: {  	v60 =	vld [tilespmem:s24+$0x30];
	v16 =	vmul.f32 v61, v9;
	v27 =	vadd.f32 v52, v27;
	v25 =	vmul.f32 v45, v25  }
0x52: {  	v43 =	vmul.f32 v54, v30;
	v56 =	vadd.f32 $0.0e+00, v28;
	v29 =	vmul.f32 v31, v29;
	v31 =	vld [tilespmem:s24+$0xD0]  }
0x53: {  	v28 =	vadd.f32 v62, v34;
	v61 =	vadd.f32 $0.0e+00, v25;
	v25 =	vmul.f32 v47, v30;
	v62 =	vld [tilespmem:s24+$0xFFFFFFC0]  }
0x54: {  	v26 =	vmul.f32 v23, v41;
	v34 =	vadd.f32 v32, v58;
	v32 =	vld [tilespmem:s24+$0x90];
	v63 =	vadd.f32 v43, v38  }
0x55: {  	v23 =	vmul.f32 v55, v9;
	v33 =	vld [tilespmem:s24+$0xB0];
	v40 =	vadd.f32 v25, v53;
	v49 =	vadd.f32 v59, v56  }
0x56: {  	v30 =	vld [tilespmem:s24+$0x140];
	v25 =	vmul.f32 v57, v9;
	v39 =	vadd.f32 v15, v34;
	v38 =	vadd.f32 v48, v61  }
0x57: {  	s29 =	simm.s32 $0x8;
	v37 =	vadd.f32 v42, v63;
	v36 =	vadd.f32 v44, v40;
	v15 =	vmul.f32 v31, v2;
	v31 =	vld [tilespmem:s24+$0xE0]  }
0x58: {  	s30 =	simm.s32 $0x8400;
	s25 =	simm.s32 $0xEA40;
	s28 =	simm.s32 $0xEA40;
	v34 =	vld [tilespmem:s24+$0x40];
	v29 =	vadd.f32 v29, v49;
	v40 =	vmul.f32 v60, v9;
	v41 =	vmul.f32 v62, v41  }
.LBB2_2:
0x59: {  	p0 =	sne.s32 s29, $0xC8;
	v20 =	vadd.f32 v35, v20;
	v24 =	vadd.f32 v24, v39;
	v35 =	vld [tilespmem:s24+$0x80];
	v32 =	vmul.f32 v32, v2;
	s28 =	sadd.s32 $0x80, s28;
	s30 =	sadd.s32 $0x400, s30  }
0x5a: {  	v28 =	vadd.f32 v40, v28;
	s26 =	smov.u32 s29;
	s29 =	sadd.s32 $0x8, s29;
	v27 =	vadd.f32 v41, v27;
	v33 =	vmul.f32 v33, v2;
	v39 =	vld [tilespmem:s24+$0x100]  }
0x5b: {  	v21 =	vadd.f32 v21, v36;
	v18 =	vadd.f32 v18, v38;
	v36 =	vld [tilespmem:s24+$0xF0];
	v30 =	vmul.f32 v30, v6  }
0x5c: {  	v12 =	vadd.f32 v12, v37;
	v14 =	vadd.f32 v14, v20;
	v20 =	vld [tilespmem:s24+$0xC0];
	v31 =	vmul.f32 v31, v2  }
0x5d: {  	v19 =	vadd.f32 v19, v29;
	v18 =	vadd.f32 v26, v18;
	v9 =	vmul.f32 v34, v9;
	v26 =	vld [tilespmem:s24+$0x110]  }
0x5e: {  	v17 =	vadd.f32 v17, v21;
	v14 =	vadd.f32 v22, v14;
	v21 =	vmul.f32 v35, v2;
	v22 =	vld [tilespmem:s24+$0x180]  }
0x5f: {  	v10 =	vadd.f32 v10, v19;
	v19 =	vadd.f32 v33, v28;
	v28 =	vmul.f32 v39, v6;
	v29 =	vld [tilespmem:s24+$0x190]  }
0x60: {  	v14 =	vadd.f32 v23, v14;
	v23 =	vmul.f32 v36, v2;
	v33 =	vld [tilespmem:s24+$0x1C0];
	(erf) = vrcp.f32 v13  }
0x61: {  	v13 =	vadd.f32 v25, v18;
	v17 =	vadd.f32 v21, v17;
	v18 =	vmul.f32 v20, v2;
	v20 =	vld [tilespmem:s24+$0x1E0]  }
0x62: {  	v16 =	vadd.f32 v16, v24;
	v9 =	vadd.f32 v9, v27;
	v21 =	vld [tilespmem:s24+$0xA0];
	v24 =	vmul.f32 v26, v6  }
0x63: {  	v13 =	vadd.f32 v31, v13;
	v17 =	vadd.f32 v28, v17;
	v25 =	vld [tilespmem:s24+$0x130];
	v22 =	vmul.f32 v22, v0  }
0x64: {  	v16 =	vadd.f32 v32, v16;
	v9 =	vadd.f32 v18, v9;
	v18 =	vld [tilespmem:s24+$0x120];
	v26 =	vmul.f32 v29, v0  }
0x65: {  	v10 =	vadd.f32 v23, v10;
	v11 =	vadd.f32 v11, v13;
	v13 =	vmul.f32 v33, v0  }
0x66: {  	v16 =	vadd.f32 v24, v16;
	v9 =	vadd.f32 v30, v9;
	v20 =	vmul.f32 v20, v0  }
0x67: {  	v8 =	vadd.f32 v8, v12;
	v2 =	vmul.f32 v21, v2;
	v21 =	vadd.f32 v7, v10  }
0x68: {  	v12 =	vadd.f32 v26, v16;
	v9 =	vadd.f32 v13, v9;
	v10 =	vmul.f32 v25, v6;
	v13 =	vld [tilespmem:s24+$0x1D0];
	s24 =	smov.u32 s30  }
0x69: {  	v2 =	vadd.f32 v2, v8;
	v6 =	vmul.f32 v18, v6;
	v3 =	vadd.f32 v3, v21;
	v7 =	vpop (erf)  }
0x6a: {  	v8 =	vadd.f32 v20, v11;
	v11 =	vmul.f32 v12, v7;
	v9 =	vmul.f32 v9, v7  }
0x6b: {  	v12 =	vadd.f32 v15, v14;
	v2 =	vadd.f32 v6, v2;
	v3 =	vmul.f32 v3, v7  }
0x6c: {  	v6 =	vadd.f32 v10, v19;
	v10 =	vadd.f32 v22, v17;
	v8 =	vmul.f32 v8, v7;
	[tilespmem:s25+$0xFFFFFFD0] =	vst v11  }
0x6d: {  	v4 =	vadd.f32 v4, v12;
	v1 =	vadd.f32 v1, v2;
	v0 =	vmul.f32 v13, v0;
	[tilespmem:s25+$0x30] =	vst v3  }
0x6e: {  	v2 =	vadd.f32 v5, v6;
	v3 =	vmul.f32 v10, v7;
	[tilespmem:s25+$0x0] =	vst v9  }
0x6f: {  	v0 =	vadd.f32 v0, v4;
	v1 =	vmul.f32 v1, v7;
	[tilespmem:s25+$0x20] =	vst v8  }
0x70: {  	v2 =	vmul.f32 v2, v7;
	[tilespmem:s25+$0xFFFFFFC0] =	vst v3  }
0x71: {  	[tilespmem:s25+$0xFFFFFFE0] =	vst v1;
	v0 =	vmul.f32 v0, v7  }
0x72: {  	[tilespmem:s25+$0xFFFFFFF0] =	vst v2  }
0x73: {  	[tilespmem:s25+$0x10] =	vst v0;
	s25 =	smov.u32 s28  }
0x74: {  	v11 =	vld [tilespmem:s30+$0x160]  }
0x75: {  	v5 =	vld [tilespmem:s30+$0x170]  }
0x76: {  	v1 =	vld [tilespmem:s30+$0x1A0]  }
0x77: {  	v23 =	vld [tilespmem:s30+$0xFFFFFF10]  }
0x78: {  	v22 =	vld [tilespmem:s30+$0xFFFFFFD0]  }
0x79: {  	v3 =	vld [tilespmem:s30+$0x1F0]  }
0x7a: {  	v15 =	vld [tilespmem:s30+$0xFFFFFFE0]  }
0x7b: {  	v4 =	vld [tilespmem:s30+$0x150]  }
0x7c: {  	v16 =	vld [tilespmem:s30+$0xFFFFFF90]  }
0x7d: {  	v13 =	vld [tilespmem:s30+$0x0]  }
0x7e: {  	v17 =	vld [tilespmem:s30+$0xFFFFFFF0]  }
0x7f: {  	v8 =	vld [tilespmem:s30+$0x1B0]  }
0x80: {  	v14 =	vld [tilespmem:s30+$0xFFFFFF00]  }
0x81: {  	v10 =	vld [tilespmem:s30+$0x70]  }
0x82: {  	v18 =	vld [tilespmem:s30+$0x20]  }
0x83: {  	v19 =	vld [tilespmem:s30+$0xFFFFFFB0]  }
0x84: {  	s1 =	sand.u32 $0xF0, s26;
	v21 =	vld [tilespmem:s30+$0xFFFFFF50]  }
0x85: {  	v9 =	vld [tilespmem:s1+$0x8100]  }
0x86: {  	v7 =	vld [tilespmem:s30+$0xFFFFFE30]  }
0x87: {  	s1 =	sand.u32 $0x8, s26;
	s26 =	sand.u32 $0xF, s26;
	v12 =	vld [tilespmem:s30+$0xFFFFFE40]  }
0x88: {  	s31 =	sadd.s32 $0x3, s26;
	s0 =	sadd.s32 $0x5, s26;
	s13 =	sadd.s32 $0x7, s26;
	v6 =	vld [tilespmem:s30+$0xFFFFFE20]  }
0x89: {  	v0 =	vmov s1;
	s1 =	sadd.s32 $0x1, s26;
	s15 =	sadd.s32 $0x2, s26;
	v2 =	vmov s0;
	s0 =	sadd.s32 $0x6, s26;
	v24 =	vmov s13;
	v20 =	vld [tilespmem:s30+$0xFFFFFEB0]  }
0x8a: {  	v27 =	vmov s1;
	s1 =	sadd.s32 $0x4, s26;
	v25 =	vperm.xlane v9, v0;
	v26 =	vld [tilespmem:s30+$0xFFFFFE50];
	v0 =	vperm.xlane v9, v24  }
0x8b: {  	v28 =	vmov s15;
	v29 =	vmov s0;
	v2 =	vperm.xlane v9, v2;
	v24 =	vld [tilespmem:s30+$0xFFFFFEC0]  }
0x8c: {  	v31 =	vperm.xlane v9, v27;
	v30 =	vadd.f32 $0.0e+00, v25;
	v27 =	vld [tilespmem:s30+$0xFFFFFF20];
	v1 =	vmul.f32 v1, v0  }
0x8d: {  	v34 =	vmov s31;
	v3 =	vmul.f32 v3, v0;
	v32 =	vmul.f32 v6, v25;
	v33 =	vld [tilespmem:s30+$0xFFFFFF60]  }
0x8e: {  	v28 =	vperm.xlane v9, v28;
	v6 =	vperm.xlane v9, v29;
	v30 =	vadd.f32 v31, v30;
	v35 =	vld [tilespmem:s30+$0xFFFFFFA0]  }
0x8f: {  	v29 =	vadd.f32 $0.0e+00, v32;
	v32 =	vmul.f32 v7, v25;
	v26 =	vmul.f32 v26, v25;
	v36 =	vld [tilespmem:s30+$0xFFFFFEE0]  }
0x90: {  	v34 =	vperm.xlane v9, v34;
	v4 =	vmul.f32 v4, v6;
	v30 =	vadd.f32 v28, v30;
	v37 =	vld [tilespmem:s30+$0xFFFFFF30]  }
0x91: {  	v7 =	vmul.f32 v5, v6;
	v38 =	vld [tilespmem:s30+$0xFFFFFE00];
	v41 =	vmul.f32 v27, v28;
	v27 =	vmov s1  }
0x92: {  	v5 =	vmul.f32 v8, v0;
	v39 =	vld [tilespmem:s30+$0xFFFFFE90];
	v30 =	vadd.f32 v34, v30;
	v9 =	vperm.xlane v9, v27  }
0x93: {  	v27 =	vadd.f32 $0.0e+00, v32;
	v32 =	vmul.f32 v12, v25;
	v40 =	vld [tilespmem:s30+$0xFFFFFF80];
	v12 =	vmul.f32 v35, v34  }
0x94: {  	v35 =	vmul.f32 v20, v31;
	v42 =	vld [tilespmem:s30+$0xFFFFFF40];
	v30 =	vadd.f32 v9, v30;
	v8 =	vmul.f32 v18, v9  }
0x95: {  	v24 =	vmul.f32 v24, v31;
	v20 =	vadd.f32 $0.0e+00, v26;
	v10 =	vmul.f32 v10, v9;
	v26 =	vld [tilespmem:s30+$0xFFFFFE70]  }
0x96: {  	v44 =	vmul.f32 v14, v28;
	v14 =	vmul.f32 v21, v28;
	v43 =	vld [tilespmem:s30+$0xFFFFFE10];
	v30 =	vadd.f32 v2, v30  }
0x97: {  	v32 =	vadd.f32 $0.0e+00, v32;
	v18 =	vmul.f32 v33, v28;
	v39 =	vmul.f32 v39, v31;
	v33 =	vld [tilespmem:s30+$0x10]  }
0x98: {  	v45 =	vld [tilespmem:s30+$0xFFFFFE60];
	v21 =	vmul.f32 v40, v34;
	v40 =	vmul.f32 v19, v34;
	v30 =	vadd.f32 v6, v30  }
0x99: {  	v27 =	vadd.f32 v35, v27;
	v32 =	vadd.f32 v24, v32;
	v19 =	vmul.f32 v17, v34;
	v35 =	vld [tilespmem:s30+$0xFFFFFED0]  }
0x9a: {  	v37 =	vmul.f32 v37, v28;
	v17 =	vmul.f32 v13, v9;
	v46 =	vld [tilespmem:s30+$0xFFFFFEF0];
	v13 =	vadd.f32 v0, v30  }
0x9b: {  	v24 =	vmul.f32 v16, v34;
	v30 =	vmul.f32 v38, v25;
	v38 =	vld [tilespmem:s30+$0xFFFFFF70]  }
0x9c: {  	v11 =	vmul.f32 v11, v6;
	v37 =	vadd.f32 v37, v27;
	v27 =	vmul.f32 v42, v28;
	v47 =	vld [tilespmem:s30+$0xFFFFFE80]  }
0x9d: {  	v26 =	vmul.f32 v26, v25;
	v30 =	vadd.f32 $0.0e+00, v30;
	v16 =	vmul.f32 v33, v9;
	v42 =	vld [tilespmem:s30+$0xFFFFFEA0]  }
0x9e: {  	v48 =	vmul.f32 v36, v31;
	v36 =	vmul.f32 v23, v28;
	v27 =	vadd.f32 v27, v32;
	v23 =	vld [tilespmem:s30+$0x50]  }
0x9f: {  	v22 =	vmul.f32 v22, v34;
	v32 =	vmul.f32 v43, v25;
	v33 =	vadd.f32 $0.0e+00, v26;
	v43 =	vld [tilespmem:s30+$0x60]  }
0xa0: {  	v25 =	vmul.f32 v45, v25;
	v38 =	vmul.f32 v38, v28;
	v28 =	vadd.f32 v40, v37;
	v37 =	vld [tilespmem:s30+$0xD0]  }
0xa1: {  	v26 =	vmul.f32 v15, v34;
	v32 =	vadd.f32 $0.0e+00, v32;
	v40 =	vmul.f32 v46, v31;
	v45 =	vld [tilespmem:s30+$0x30]  }
0xa2: {  	v46 =	vadd.f32 $0.0e+00, v25;
	v15 =	vmul.f32 v47, v31;
	v42 =	vmul.f32 v42, v31;
	v47 =	vld [tilespmem:s30+$0xFFFFFFC0]  }
.Ltmp0:
0xa3: {  	v35 =	vmul.f32 v35, v31;
	v39 =	vadd.f32 v39, v32;
	v23 =	vmul.f32 v23, v9;
	v32 =	vld [tilespmem:s30+$0x90];
	(pc) =	sbr.rel @p0 .LBB2_2-.Ltmp0, $4  }
0xa4: {  	v40 =	vadd.f32 v40, v33;
	v31 =	vadd.f32 v15, v30;
	v25 =	vmul.f32 v43, v9;
	v33 =	vld [tilespmem:s30+$0xB0]  }
0xa5: {  	v39 =	vadd.f32 v36, v39;
	v42 =	vadd.f32 v42, v29;
	v15 =	vmul.f32 v37, v2;
	v30 =	vld [tilespmem:s30+$0x140]  }
0xa6: {  	v29 =	vadd.f32 v38, v40;
	v36 =	vadd.f32 v44, v31;
	v40 =	vmul.f32 v45, v9;
	v31 =	vld [tilespmem:s30+$0xE0]  }
0xa7: {  	s26 =	simm.s32 $0x0;
	v38 =	vadd.f32 v48, v46;
	v37 =	vadd.f32 v41, v42;
	v41 =	vmul.f32 v47, v34;
	v34 =	vld [tilespmem:s30+$0x40]  }
0xa8: {  	v20 =	vadd.f32 v35, v20  }
0xa9: {  	v24 =	vadd.f32 v24, v39;
	v56 =	vld [tilespmem:s24+$0x80];
	v28 =	vadd.f32 v40, v28  }
0xaa: {  	v32 =	vmul.f32 v32, v2;
	v57 =	vld [tilespmem:s24+$0x100];
	v21 =	vadd.f32 v21, v36;
	v19 =	vadd.f32 v19, v29  }
0xab: {  	v58 =	vld [tilespmem:s24+$0xF0];
	(erf) = vrcp.f32 v13;
	v27 =	vadd.f32 v41, v27;
	v18 =	vadd.f32 v18, v38  }
0xac: {  	v59 =	vld [tilespmem:s24+$0xC0];
	v33 =	vmul.f32 v33, v2;
	v12 =	vadd.f32 v12, v37;
	v14 =	vadd.f32 v14, v20  }
0xad: {  	v60 =	vld [tilespmem:s24+$0x110];
	v30 =	vmul.f32 v30, v6;
	v17 =	vadd.f32 v17, v21;
	v10 =	vadd.f32 v10, v19  }
0xae: {  	v44 =	vld [tilespmem:s24+$0xA0];
	v16 =	vadd.f32 v16, v24;
	v31 =	vmul.f32 v31, v2;
	v18 =	vadd.f32 v26, v18  }
0xaf: {  	v46 =	vld [tilespmem:s24+$0x130];
	v63 =	vadd.f32 v33, v28;
	v8 =	vadd.f32 v8, v12;
	v9 =	vmul.f32 v34, v9  }
0xb0: {  	v62 =	vld [tilespmem:s24+$0x180];
	v14 =	vadd.f32 v22, v14;
	v16 =	vadd.f32 v32, v16;
	v61 =	vmul.f32 v56, v2  }
0xb1: {  	v38 =	vld [tilespmem:s24+$0x190];
	v37 =	vmul.f32 v57, v6;
	v39 =	vmul.f32 v58, v2;
	v41 =	vadd.f32 v25, v18  }
0xb2: {  	v47 =	vld [tilespmem:s24+$0x120];
	v42 =	vmul.f32 v59, v2;
	v45 =	vmul.f32 v60, v6;
	v14 =	vadd.f32 v23, v14  }
0xb3: {  	v40 =	vld [tilespmem:s24+$0x1C0];
	v50 =	vmul.f32 v44, v2;
	v9 =	vadd.f32 v9, v27;
	v17 =	vadd.f32 v61, v17  }
0xb4: {  	v43 =	vld [tilespmem:s24+$0x1E0];
	v51 =	vmul.f32 v46, v6;
	v13 =	vadd.f32 v31, v41;
	v10 =	vadd.f32 v39, v10  }
0xb5: {  	v22 =	vmul.f32 v62, v0;
	v16 =	vadd.f32 v45, v16;
	v2 =	vadd.f32 v50, v8  }
0xb6: {  	v48 =	vmul.f32 v38, v0;
	v59 =	vadd.f32 v51, v63;
	v9 =	vadd.f32 v42, v9  }
0xb7: {  	v54 =	vmul.f32 v47, v6;
	v58 =	vadd.f32 v15, v14;
	v11 =	vadd.f32 v11, v13  }
0xb8: {  	v53 =	vld [tilespmem:s24+$0x1D0];
	v49 =	vmul.f32 v40, v0;
	v7 =	vadd.f32 v7, v10;
	v52 =	vadd.f32 v48, v16  }
0xb9: {  	v20 =	vmul.f32 v43, v0;
	v55 =	vpop (erf);
	v2 =	vadd.f32 v54, v2;
	v62 =	vadd.f32 v5, v59  }
0xba: {  	v17 =	vadd.f32 v37, v17;
	v3 =	vadd.f32 v3, v7;
	v57 =	vmul.f32 v52, v55  }
0xbb: {  	v56 =	vadd.f32 v20, v11;
	v1 =	vadd.f32 v1, v2;
	v2 =	vmul.f32 v62, v55  }
0xbc: {  	v9 =	vadd.f32 v30, v9;
	v60 =	vadd.f32 v22, v17;
	v3 =	vmul.f32 v3, v55;
	[tilespmem:s25+$0xFFFFFFD0] =	vst v57  }
0xbd: {  	v61 =	vmul.f32 v53, v0;
	v4 =	vadd.f32 v4, v58;
	v8 =	vmul.f32 v56, v55;
	[tilespmem:s25+$0xFFFFFFF0] =	vst v2  }
0xbe: {  	v9 =	vadd.f32 v49, v9;
	v63 =	vmul.f32 v60, v55;
	[tilespmem:s25+$0x30] =	vst v3  }
0xbf: {  	v0 =	vadd.f32 v61, v4;
	v1 =	vmul.f32 v1, v55;
	[tilespmem:s25+$0x20] =	vst v8  }
0xc0: {  	v9 =	vmul.f32 v9, v55;
	[tilespmem:s25+$0xFFFFFFC0] =	vst v63  }
0xc1: {  	v0 =	vmul.f32 v0, v55;
	[tilespmem:s25+$0xFFFFFFE0] =	vst v1  }
0xc2: {  	[tilespmem:s25+$0x0] =	vst v9  }
0xc3: {  	s24 =	simm.s32 $0x0;
	[tilespmem:s25+$0x10] =	vst v0  }
.LBB2_4:
0xc4: {  	s0 =	sshll.u32 s24, $0x7  }
0xc5: {  	s1 =	sadd.s32 $0x4000, s0  }
0xc6: {  	v0 =	vmov s1  }
0xc7: {  	[tilespmem:s21], [sflag:$0x1] =	stream.indirect.gather [hbm4b:s2+s20], $0x80, s0, s20, $0xb8;
	[tilespmem:$0x14680] =	vst v63  }
0xc8: {  	_ =	swait.ge [sflag:s19], $0x3C00  }
0xc9: {  	[sflag:s19] =	ssyncset.done $0x0  }
0xca: {  	s25 =	sand.u32 $0x10, s26;
	[sflag:s19] =	ssyncadd.s32 $0xFFFFC400  }
0xcb: {  	v1 =	vld.idx.msk [tilespmem:v0+s25+$0x0 ss:$0x1], $0xffff  }
0xcc: {  	s25 =	simm.s32 $0xEA40  }
0xcd: {  	v2 =	vld [tilespmem:s25+$0xFFFFFFC0];
	_ =	sdelay $0x1  }
0xce: {  	v3 =	vmov s26;
	v4 =	vld [tilespmem:$0xFA00]  }
0xcf: {  	v1 =	vperm.xlane v1, v3;
	_ =	sdelay $0x1  }
0xd0: {  	v2 =	vmul.f32 v2, v1;
	_ =	sdelay $0x1  }
0xd1: {  	v2 =	vadd.f32 v4, v2  }
0xd2: {  	s29 =	simm.s32 $0xFAC0  }
0xd3: {  	[tilespmem:s29+$0xFFFFFFC0] =	vst v2  }
0xd4: {  	v2 =	vld [tilespmem:s25+$0xFFFFFFD0];
	_ =	sdelay $0x1  }
0xd5: {  	v3 =	vld [tilespmem:$0xFA10];
	_ =	sdelay $0x2  }
0xd6: {  	v2 =	vmul.f32 v2, v1;
	_ =	sdelay $0x1  }
0xd7: {  	v2 =	vadd.f32 v3, v2;
	_ =	sdelay $0x1  }
0xd8: {  	[tilespmem:s29+$0xFFFFFFD0] =	vst v2  }
0xd9: {  	v2 =	vld [tilespmem:s25+$0xFFFFFFE0];
	_ =	sdelay $0x1  }
0xda: {  	v3 =	vld [tilespmem:$0xFA20];
	_ =	sdelay $0x2  }
0xdb: {  	v2 =	vmul.f32 v2, v1;
	_ =	sdelay $0x1  }
0xdc: {  	v2 =	vadd.f32 v3, v2;
	_ =	sdelay $0x1  }
0xdd: {  	[tilespmem:s29+$0xFFFFFFE0] =	vst v2  }
0xde: {  	v2 =	vld [tilespmem:s25+$0xFFFFFFF0];
	_ =	sdelay $0x1  }
0xdf: {  	v3 =	vld [tilespmem:$0xFA30];
	_ =	sdelay $0x2  }
0xe0: {  	v2 =	vmul.f32 v2, v1;
	_ =	sdelay $0x1  }
0xe1: {  	v2 =	vadd.f32 v3, v2;
	_ =	sdelay $0x1  }
0xe2: {  	[tilespmem:s29+$0xFFFFFFF0] =	vst v2  }
0xe3: {  	v2 =	vld [tilespmem:s25+$0x0];
	_ =	sdelay $0x1  }
0xe4: {  	v3 =	vld [tilespmem:$0xFA40];
	_ =	sdelay $0x2  }
0xe5: {  	v2 =	vmul.f32 v2, v1;
	_ =	sdelay $0x1  }
0xe6: {  	v2 =	vadd.f32 v3, v2;
	_ =	sdelay $0x1  }
0xe7: {  	[tilespmem:s29+$0x0] =	vst v2  }
0xe8: {  	v2 =	vld [tilespmem:s25+$0x10];
	_ =	sdelay $0x1  }
0xe9: {  	v3 =	vld [tilespmem:$0xFA50];
	_ =	sdelay $0x2  }
0xea: {  	v2 =	vmul.f32 v2, v1;
	_ =	sdelay $0x1  }
0xeb: {  	v2 =	vadd.f32 v3, v2;
	_ =	sdelay $0x1  }
0xec: {  	[tilespmem:s29+$0x10] =	vst v2  }
0xed: {  	v2 =	vld [tilespmem:s25+$0x20];
	_ =	sdelay $0x1  }
0xee: {  	v3 =	vld [tilespmem:$0xFA60];
	_ =	sdelay $0x2  }
0xef: {  	v2 =	vmul.f32 v2, v1;
	_ =	sdelay $0x1  }
0xf0: {  	v2 =	vadd.f32 v3, v2;
	_ =	sdelay $0x1  }
0xf1: {  	[tilespmem:s29+$0x20] =	vst v2  }
0xf2: {  	v2 =	vld [tilespmem:s25+$0x30];
	_ =	sdelay $0x1  }
0xf3: {  	v3 =	vld [tilespmem:$0xFA70];
	_ =	sdelay $0x2  }
0xf4: {  	v1 =	vmul.f32 v2, v1;
	_ =	sdelay $0x1  }
0xf5: {  	s30 =	simm.s32 $0x1;
	s31 =	simm.s32 $0x2;
	s28 =	simm.s32 $0xFB40;
	v1 =	vadd.f32 v3, v1  }
.LBB2_5:
0xf6: {  	s0 =	sand.u32 $0x10, s30;
	s25 =	sadd.s32 $0x80, s25  }
0xf7: {  	[tilespmem:s29+$0x30] =	vst v1;
	s13 =	smov.u32 s31;
	s1 =	sadd.s32 $0x1, s31;
	s29 =	smov.u32 s28  }
0xf8: {  	p0 =	sne.s32 s31, $0x19;
	v1 =	vld.idx.msk [tilespmem:v0+s0+$0x0 ss:$0x1], $0xffff;
	_ =	sdelay $0x2  }
0xf9: {  	v2 =	vld [tilespmem:s25+$0xFFFFFFC0];
	_ =	sdelay $0x1  }
0xfa: {  	v3 =	vmov s30;
	s30 =	smov.u32 s13;
	v4 =	vld [tilespmem:$0xFA00]  }
0xfb: {  	v1 =	vperm.xlane v1, v3;
	_ =	sdelay $0x1  }
0xfc: {  	v2 =	vmul.f32 v2, v1;
	_ =	sdelay $0x1  }
0xfd: {  	v2 =	vadd.f32 v4, v2;
	_ =	sdelay $0x1  }
0xfe: {  	[tilespmem:s28+$0xFFFFFFC0] =	vst v2  }
0xff: {  	v2 =	vld [tilespmem:s25+$0xFFFFFFD0];
	_ =	sdelay $0x1  }
0x100: {  	v3 =	vld [tilespmem:$0xFA10];
	_ =	sdelay $0x2  }
0x101: {  	v2 =	vmul.f32 v2, v1;
	_ =	sdelay $0x1  }
0x102: {  	v2 =	vadd.f32 v3, v2;
	_ =	sdelay $0x1  }
0x103: {  	[tilespmem:s28+$0xFFFFFFD0] =	vst v2  }
0x104: {  	v2 =	vld [tilespmem:s25+$0xFFFFFFE0];
	_ =	sdelay $0x1  }
0x105: {  	v3 =	vld [tilespmem:$0xFA20];
	_ =	sdelay $0x2  }
0x106: {  	v2 =	vmul.f32 v2, v1;
	_ =	sdelay $0x1  }
0x107: {  	v2 =	vadd.f32 v3, v2;
	_ =	sdelay $0x1  }
0x108: {  	[tilespmem:s28+$0xFFFFFFE0] =	vst v2  }
0x109: {  	v2 =	vld [tilespmem:s25+$0xFFFFFFF0];
	_ =	sdelay $0x1  }
0x10a: {  	v3 =	vld [tilespmem:$0xFA30];
	_ =	sdelay $0x2  }
0x10b: {  	v2 =	vmul.f32 v2, v1;
	_ =	sdelay $0x1  }
0x10c: {  	v2 =	vadd.f32 v3, v2;
	_ =	sdelay $0x1  }
0x10d: {  	[tilespmem:s28+$0xFFFFFFF0] =	vst v2  }
0x10e: {  	v2 =	vld [tilespmem:s25+$0x0];
	_ =	sdelay $0x1  }
0x10f: {  	v3 =	vld [tilespmem:$0xFA40];
	_ =	sdelay $0x2  }
0x110: {  	v2 =	vmul.f32 v2, v1;
	_ =	sdelay $0x1  }
0x111: {  	v2 =	vadd.f32 v3, v2;
	_ =	sdelay $0x1  }
0x112: {  	[tilespmem:s28+$0x0] =	vst v2  }
0x113: {  	v2 =	vld [tilespmem:s25+$0x10]  }
0x114: {  	v3 =	vld [tilespmem:$0xFA50];
	_ =	sdelay $0x3  }
0x115: {  	v2 =	vmul.f32 v2, v1;
	_ =	sdelay $0x1  }
0x116: {  	v2 =	vadd.f32 v3, v2;
	_ =	sdelay $0x1  }
0x117: {  	[tilespmem:s28+$0x10] =	vst v2  }
0x118: {  	v2 =	vld [tilespmem:s25+$0x20]  }
0x119: {  	v3 =	vld [tilespmem:$0xFA60];
	_ =	sdelay $0x3  }
0x11a: {  	v2 =	vmul.f32 v2, v1;
	_ =	sdelay $0x1  }
0x11b: {  	v2 =	vadd.f32 v3, v2;
	_ =	sdelay $0x1  }
0x11c: {  	[tilespmem:s28+$0x20] =	vst v2  }
0x11d: {  	v2 =	vld [tilespmem:s25+$0x30]  }
0x11e: {  	v3 =	vld [tilespmem:$0xFA70];
	_ =	sdelay $0x2  }
.Ltmp1:
0x11f: {  	(pc) =	sbr.rel @p0 .LBB2_5-.Ltmp1, $3  }
0x120: {  	v1 =	vmul.f32 v2, v1;
	_ =	sdelay $0x1  }
0x121: {  	v1 =	vadd.f32 v3, v1  }
0x122: {  	s31 =	smov.u32 s1;
	s28 =	sadd.s32 $0x80, s28  }
0x123: {  	_ =	sdelay $0x2  }
0x124: {  	s0 =	sand.u32 $0x10, s30;
	[tilespmem:s29+$0x30] =	vst v1  }
0x125: {  	v0 =	vld.idx.msk [tilespmem:v0+s0+$0x0 ss:$0x1], $0xffff  }
0x126: {  	s29 =	sadd.s32 $0x80, s25  }
0x127: {  	v1 =	vld [tilespmem:s29+$0xFFFFFFC0];
	_ =	sdelay $0x1  }
0x128: {  	v2 =	vmov s30;
	v3 =	vld [tilespmem:$0xFA00]  }
0x129: {  	v0 =	vperm.xlane v0, v2;
	_ =	sdelay $0x1  }
0x12a: {  	v1 =	vmul.f32 v1, v0;
	_ =	sdelay $0x1  }
0x12b: {  	v1 =	vadd.f32 v3, v1;
	_ =	sdelay $0x1  }
0x12c: {  	[tilespmem:s28+$0xFFFFFFC0] =	vst v1  }
0x12d: {  	v1 =	vld [tilespmem:s29+$0xFFFFFFD0];
	_ =	sdelay $0x1  }
0x12e: {  	v57 =	vld [tilespmem:$0xFA10];
	_ =	sdelay $0x2  }
0x12f: {  	v1 =	vmul.f32 v1, v0;
	_ =	sdelay $0x1  }
0x130: {  	v1 =	vadd.f32 v57, v1;
	_ =	sdelay $0x1  }
0x131: {  	[tilespmem:s28+$0xFFFFFFD0] =	vst v1  }
0x132: {  	v1 =	vld [tilespmem:s29+$0xFFFFFFE0];
	_ =	sdelay $0x1  }
0x133: {  	v58 =	vld [tilespmem:$0xFA20];
	_ =	sdelay $0x2  }
0x134: {  	v1 =	vmul.f32 v1, v0;
	_ =	sdelay $0x1  }
0x135: {  	v1 =	vadd.f32 v58, v1;
	_ =	sdelay $0x1  }
0x136: {  	[tilespmem:s28+$0xFFFFFFE0] =	vst v1  }
0x137: {  	v1 =	vld [tilespmem:s29+$0xFFFFFFF0];
	_ =	sdelay $0x1  }
0x138: {  	v59 =	vld [tilespmem:$0xFA30];
	_ =	sdelay $0x2  }
0x139: {  	v1 =	vmul.f32 v1, v0;
	_ =	sdelay $0x1  }
0x13a: {  	v1 =	vadd.f32 v59, v1;
	_ =	sdelay $0x1  }
0x13b: {  	[tilespmem:s28+$0xFFFFFFF0] =	vst v1  }
0x13c: {  	v1 =	vld [tilespmem:s29+$0x0];
	_ =	sdelay $0x1  }
0x13d: {  	v60 =	vld [tilespmem:$0xFA40];
	_ =	sdelay $0x2  }
0x13e: {  	v1 =	vmul.f32 v1, v0;
	_ =	sdelay $0x1  }
0x13f: {  	v1 =	vadd.f32 v60, v1;
	_ =	sdelay $0x1  }
0x140: {  	[tilespmem:s28+$0x0] =	vst v1  }
0x141: {  	v1 =	vld [tilespmem:s29+$0x10];
	_ =	sdelay $0x1  }
0x142: {  	v61 =	vld [tilespmem:$0xFA50];
	_ =	sdelay $0x2  }
0x143: {  	v1 =	vmul.f32 v1, v0;
	_ =	sdelay $0x1  }
0x144: {  	v1 =	vadd.f32 v61, v1;
	_ =	sdelay $0x1  }
0x145: {  	[tilespmem:s28+$0x10] =	vst v1  }
0x146: {  	v1 =	vld [tilespmem:s29+$0x20];
	_ =	sdelay $0x1  }
0x147: {  	v62 =	vld [tilespmem:$0xFA60];
	_ =	sdelay $0x2  }
0x148: {  	v1 =	vmul.f32 v1, v0;
	_ =	sdelay $0x1  }
0x149: {  	v1 =	vadd.f32 v62, v1;
	_ =	sdelay $0x1  }
0x14a: {  	[tilespmem:s28+$0x20] =	vst v1  }
0x14b: {  	v1 =	vld [tilespmem:s29+$0x30];
	_ =	sdelay $0x1  }
0x14c: {  	v63 =	vld [tilespmem:$0xFA70];
	_ =	sdelay $0x2  }
0x14d: {  	v0 =	vmul.f32 v1, v0  }
0x14e: {  	s31 =	sadd.s32 s4, s24  }
0x14f: {  	s24 =	sadd.s32 $0x1, s24;
	s0 =	smul.u32 $0x980, s31;
	v0 =	vadd.f32 v63, v0  }
0x150: {  	p0 =	sne.s32 s24, $0x80  }
.Ltmp2:
0x151: {  	s0 =	sadd.s32 s8, s0;
	[tilespmem:s28+$0x30] =	vst v0;
	(pc) =	sbr.rel @p0 .LBB2_4-.Ltmp2, $4  }
0x152: {  	[hbm4b:s0+s3] =	stream.linear.scatter [tilespmem:s22], [sflag:$0x2], $0x4900, $0x38;
	[tilespmem:$0x14680] =	vst v63  }
0x153: {  	_ =	swait.ge [sflag:s12], $0x4900  }
0x154: {  	[sflag:s12] =	ssyncset.done $0x0  }
0x155: {  	[sflag:s12] =	ssyncadd.s32 $0xFFFFB700  }
0x156: {  	s23 =	sadd.s32 $0x1, s23  }
0x157: {  	p0 =	sne.s32 s23, s11  }
.Ltmp3:
0x158: {  	_ = 	snop;
	(pc) =	sbr.rel @p0 .LBB2_1-.Ltmp3, $1  }
0x159: {  	_ =	sdelay $0x3  }
0x15a: {  	_ =	sfence.sel $0x180000  }
0x15b: {  	[bflag:$0x0] =	sbarrier.arrive $0xFFFF  }
0x15c: {  	_ =	strace $0x90000047  }
0x15d: {  	s0 =	stileid.u32;
	[bflag:$0x2] =	sbarrier.arrive $0xFFFF  }
0x15e: {  	p0 =	sne.s32 s0, $0x0;
	s0 =	rddreg [dreg:$0x2]  }
0x15f: {  	s0 =	sadd.s32 @!p0 $0x100000, s0  }
0x160: {  	[sflag:s0] =	ssyncadd.tile.s32 @!p0 $0x1;
	_ =	shalt  }
.Lfunc_end2:
_tile_overlayer_lowered:
.L_overlay_start_2:
0x161: {  	(tag) =	ssettag $0x2  }
0x162: {  	s0 =	rddreg [dreg:$0x0];
	s2 =	stileid.u32  }
0x163: {  	s1 =	rddreg [dreg:$0x1];
	p0 =	sne.s32 s2, $0x0  }
0x164: {  	s3 =	rddreg [dreg:$0x2];
	[bflag:$0x3] =	sbarrier.arrive $0xFFFF;
	s2 =	simm.s32 @!p0 $0x1C02  }
0x165: {  	[timem:s3], [sflag:s2] =	dma.local @!p0 [hbm:s0], s1  }
0x166: {  	s0 =	simm.s32 @!p0 $0x2  }
0x167: {  	_ =	swait.ge @!p0 [sflag:s0], s1  }
0x168: {  	s1 =	ssub.s32 @!p0 $0x0, s1;
	[sflag:s0] =	ssyncset.done @!p0 $0x0  }
0x169: {  	[sflag:s0] =	ssyncadd.s32 @!p0 s1  }
0x16a: {  	[bflag:$0x3] =	sbarrier.arrive $0xFFFF  }
0x16b: {  	_ =	shalt  }

</sc_bundles>
